<compile_context>
chip_gen: v7x
topology: tpu7x:2x2x1
jax: 0.10.2.dev20260603
libtpu: 0.0.44.dev20260713+nightly
codegen_flags: <defaults>
</compile_context>

<pallas_src>
import functools

import jax
import jax.numpy as jnp
from jax import lax
from jax.experimental import pallas as pl
from jax.experimental.pallas import tpu as pltpu
from jax.experimental.pallas import tpu_sc as plsc

B = 4096
BLK = 512
NBLK = B // BLK
NW = 32
CHUNK = B // NW


def _dense_kernel(sensor_s_ref, sensor_ref, other_s_ref, other_ref,
                  out_ref, acc_ref):
    i = pl.program_id(0)

    @pl.when(i == 0)
    def _init():
        acc_ref[0] = 0.0
        acc_ref[1] = 0.0

    acc_ref[0] += jnp.sum(jnp.abs(sensor_s_ref[...] - sensor_ref[...]))
    acc_ref[1] += jnp.sum(jnp.abs(other_s_ref[...] - other_ref[...]))

    @pl.when(i == NBLK - 1)
    def _final():
        out_ref[0] = acc_ref[0]
        out_ref[1] = acc_ref[1]


def _ber_kernel(apt_ref, spt_ref, act_ref, sens_ref, out_ref,
                act_v, sens_v, idxa_v, idxs_v, ga_v, gs_v, acc_v, sem):
    c = lax.axis_index("c")
    s = lax.axis_index("s")
    wid = s * 2 + c
    base = wid * CHUNK

    pltpu.sync_copy(act_ref.at[pl.ds(base, CHUNK)], act_v)
    pltpu.sync_copy(sens_ref.at[pl.ds(base, CHUNK)], sens_v)

    io16 = lax.iota(jnp.int32, 16)
    for j in range(CHUNK // 16):
        pos = base + j * 16 + io16
        idxa_v[pl.ds(j * 16, 16)] = act_v[pl.ds(j * 16, 16)] * B + pos
        idxs_v[pl.ds(j * 16, 16)] = sens_v[pl.ds(j * 16, 16)] * B + pos

    ca = pltpu.async_copy(apt_ref.at[idxa_v], ga_v, sem)
    cs = pltpu.async_copy(spt_ref.at[idxs_v], gs_v, sem)
    ca.wait()
    cs.wait()

    zeros = jnp.zeros((16,), jnp.float32)
    ones = jnp.full((16,), 1.0, jnp.float32)
    acc = [zeros] * 12
    for j in range(CHUNK // 16):
        sg = sens_v[pl.ds(j * 16, 16)]
        va = jnp.abs(1.0 - ga_v[pl.ds(j * 16, 16)])
        vs = jnp.abs(1.0 - gs_v[pl.ds(j * 16, 16)])
        for g in range(4):
            m = sg == g
            acc[g] = acc[g] + jnp.where(m, va, zeros)
            acc[4 + g] = acc[4 + g] + jnp.where(m, vs, zeros)
            acc[8 + g] = acc[8 + g] + jnp.where(m, ones, zeros)

    for g in range(12):
        acc_v[pl.ds(g * 16, 16)] = acc[g]
    pltpu.sync_copy(acc_v, out_ref.at[wid])


_ber_call = pl.kernel(
    _ber_kernel,
    mesh=plsc.VectorSubcoreMesh(core_axis_name="c", subcore_axis_name="s"),
    out_type=jax.ShapeDtypeStruct((NW, 192), jnp.float32),
    scratch_types=[
        pltpu.VMEM((CHUNK,), jnp.int32),
        pltpu.VMEM((CHUNK,), jnp.int32),
        pltpu.VMEM((CHUNK,), jnp.int32),
        pltpu.VMEM((CHUNK,), jnp.int32),
        pltpu.VMEM((CHUNK,), jnp.float32),
        pltpu.VMEM((CHUNK,), jnp.float32),
        pltpu.VMEM((192,), jnp.float32),
        pltpu.SemaphoreType.DMA,
    ],
)


def kernel(sensor_s, other_s, act_p, sens_p, sensor, act, sens, other):
    c, t = sensor_s.shape[1], sensor_s.shape[2]
    st = jnp.transpose(sensor_s, (1, 0, 2))
    rt = jnp.transpose(sensor, (1, 0, 2))
    ot_s = other_s.T
    ot = other.T

    apt1 = act_p.T.reshape(B * act_p.shape[1])
    spt1 = sens_p.T.reshape(B * sens_p.shape[1])
    parts = _ber_call(apt1, spt1, act, sens)

    dense = pl.pallas_call(
        _dense_kernel,
        grid=(NBLK,),
        in_specs=[
            pl.BlockSpec((c, BLK, t), lambda i: (0, i, 0)),
            pl.BlockSpec((c, BLK, t), lambda i: (0, i, 0)),
            pl.BlockSpec((ot_s.shape[0], BLK), lambda i: (0, i)),
            pl.BlockSpec((ot.shape[0], BLK), lambda i: (0, i)),
        ],
        out_specs=pl.BlockSpec(memory_space=pltpu.SMEM),
        out_shape=jax.ShapeDtypeStruct((2,), jnp.float32),
        scratch_shapes=[pltpu.SMEM((2,), jnp.float32)],
    )(st, rt, ot_s, ot)

    tot = jnp.sum(parts.reshape(NW, 12, 16), axis=(0, 2))
    sa, ss, cnt = tot[0:4], tot[4:8], tot[8:12]
    n_groups = jnp.max(jnp.where(cnt > 0, jnp.arange(1.0, 5.0), 0.0))
    safe = jnp.maximum(cnt, 1e-12)
    act_loss = jnp.abs(0.0 - jnp.sum(sa / safe) / n_groups)
    sens_loss = jnp.abs(0.5 - jnp.sum(ss / safe) / n_groups)
    sensor_loss = dense[0] / (B * 6.0 * 512.0)
    physio_loss = dense[1] / (B * 16.0)
    combined = (0.25 * act_loss + 0.25 * sens_loss
                + 0.5 * 0.5 * (sensor_loss + physio_loss))
    return (combined, act_loss, sens_loss)

# --- scband reference (transcript-rebuilt; emitter-appended) ---
"""Pipeline reference for scband-sanitizer-ber-loss-30494267802290 (READ-ONLY COPY).

The authoritative reference and input builder live on the scoring server;
editing this copy changes nothing except your own understanding.
"""

import jax, jax.numpy as jnp
import numpy as np


def _ber(inp, target, sens, target_ber, n_groups, max_segments):
    l = target.shape[0]
    out = jnp.abs(1.0 - inp[jnp.arange(l), target])
    sums = jax.ops.segment_sum(out, sens, num_segments=max_segments)
    counts = jax.ops.segment_sum(jnp.ones_like(out), sens, num_segments=max_segments)
    # torch F.normalize(p=1) row-normalizes the one-hot group matrix, so mm(m, out)
    # yields per-group means of out; eps guard mirrors normalize's eps behavior
    group_means = sums / jnp.maximum(counts, 1e-12)
    return jnp.abs(target_ber - group_means.sum() / n_groups)


def setup_inputs(seed: int = 0) -> dict:
    key = jax.random.key(seed)
    ks = jax.random.split(key, 8)
    B, C, T, O, NA, NS = 4096, 6, 512, 16, 12, 4
    return {
        "sensor_s": jax.random.normal(ks[0], (B, C, T), dtype=jnp.float32),
        "other_s": jax.random.normal(ks[1], (B, O), dtype=jnp.float32),
        "act_p": jax.random.uniform(ks[2], (B, NA), dtype=jnp.float32),
        "sens_p": jax.random.uniform(ks[3], (B, NS), dtype=jnp.float32),
        "sensor": jax.random.normal(ks[4], (B, C, T), dtype=jnp.float32),
        "act": jax.random.randint(ks[5], (B,), 0, NA, dtype=jnp.int32),
        "sens": jax.random.randint(ks[6], (B,), 0, NS, dtype=jnp.int32),
        "other": jax.random.normal(ks[7], (B, O), dtype=jnp.float32),
    }


def reference(sensor_s, other_s, act_p, sens_p, sensor, act, sens, other):
    alpha_ = 0.25
    lambda_ = 0.25
    n_groups = sens.max().astype(jnp.float32) + 1.0
    max_segments = sens_p.shape[1]
    # disc loss: BER of sensitive prediction, target 1/2
    sens_loss = _ber(sens_p, sens, sens, 0.5, n_groups, max_segments)
    # pred loss: BER of activity prediction grouped by sens, target 0
    act_loss = _ber(act_p, act, sens, 0.0, n_groups, max_segments)
    # reconstruction L1 losses (optim_type='mean' -> nn.L1Loss with mean reduction)
    sensor_loss = jnp.mean(jnp.abs(sensor_s - sensor))
    physio_loss = jnp.mean(jnp.abs(other_s - other))
    san_loss = jnp.concatenate((sensor_loss.reshape(1, -1), physio_loss.reshape(1, -1)), axis=1)
    combined = lambda_ * act_loss + alpha_ * sens_loss + (1.0 - (alpha_ + lambda_)) * san_loss.mean()
    return (combined, act_loss, sens_loss)

if __name__ == "__main__":
    import jax
    _d = setup_inputs()
    print(jax.jit(kernel)(*tuple(_d.values())))

</pallas_src>

<mosaic_0001>
#map = affine_map<(d0, d1) -> (0)>
#map1 = affine_map<(d0, d1) -> (0, 0)>
module attributes {stable_mosaic.version = 14 : i64} {
  func.func @_ber_kernel(%arg0: i32, %arg1: i32, %arg2: memref<49152xf32, #tpu.memory_space<hbm>>, %arg3: memref<16384xf32, #tpu.memory_space<hbm>>, %arg4: memref<4096xi32, #tpu.memory_space<hbm>>, %arg5: memref<4096xi32, #tpu.memory_space<hbm>>, %arg6: memref<32x192xf32, #tpu.memory_space<hbm>>, %arg7: memref<128xi32, #tpu.memory_space<vmem>>, %arg8: memref<128xi32, #tpu.memory_space<vmem>>, %arg9: memref<128xi32, #tpu.memory_space<vmem>>, %arg10: memref<128xi32, #tpu.memory_space<vmem>>, %arg11: memref<128xf32, #tpu.memory_space<vmem>>, %arg12: memref<128xf32, #tpu.memory_space<vmem>>, %arg13: memref<192xf32, #tpu.memory_space<vmem>>, %arg14: memref<!tpu.dma_semaphore, #tpu.memory_space<semaphore_mem>>) attributes {dimension_semantics = [#tpu.dimension_semantics<core_parallel>, #tpu.dimension_semantics<subcore_parallel>], iteration_bounds = array<i64: 2, 16>, scalar_prefetch = 0 : i64, scratch_operands = 8 : i64, tpu.core_type = #tpu.core_type<sc_vector_subcore>, window_params = [{transform_indices = #map}, {transform_indices = #map}, {transform_indices = #map}, {transform_indices = #map}, {transform_indices = #map1}]} {
    %mul3A = arith.constant 2 : i32
    %mul3A_0 = arith.muli %arg1, %mul3A : i32
    %add3A = arith.addi %mul3A_0, %arg0 : i32
    %mul3A_1 = arith.constant 128 : i32
    %mul3A_2 = arith.muli %add3A, %mul3A_1 : i32
    "tpu.region"() ({
      %run_scoped3A = tpu.sem_alloc : memref<!tpu.dma_semaphore, #tpu.memory_space<semaphore_mem>>
      %dma_start3A_686 = tpu.memref_slice %arg4[%mul3A_2] : memref<4096xi32, #tpu.memory_space<hbm>> -> memref<128xi32, #tpu.memory_space<hbm>>
      %dma_start3A_687 = tpu.memref_slice %arg4[%mul3A_2] : memref<4096xi32, #tpu.memory_space<hbm>> -> memref<128xi32, #tpu.memory_space<hbm>>
      tpu.enqueue_dma source(%dma_start3A_687 : memref<128xi32, #tpu.memory_space<hbm>>) target(%arg7 : memref<128xi32, #tpu.memory_space<vmem>>) target_semaphore(%run_scoped3A : memref<!tpu.dma_semaphore, #tpu.memory_space<semaphore_mem>>)
      %dma_wait3A_688 = tpu.memref_slice %arg4[%mul3A_2] : memref<4096xi32, #tpu.memory_space<hbm>> -> memref<128xi32, #tpu.memory_space<hbm>>
      %dma_wait3A_689 = tpu.memref_slice %arg4[%mul3A_2] : memref<4096xi32, #tpu.memory_space<hbm>> -> memref<128xi32, #tpu.memory_space<hbm>>
      tpu.wait_dma2 semaphore(%run_scoped3A : memref<!tpu.dma_semaphore, #tpu.memory_space<semaphore_mem>>) src(%dma_wait3A_689 : memref<128xi32, #tpu.memory_space<hbm>>) dst(%arg7 : memref<128xi32, #tpu.memory_space<vmem>>)
      tpu.yield
    }) : () -> ()
    "tpu.region"() ({
      %run_scoped3A = tpu.sem_alloc : memref<!tpu.dma_semaphore, #tpu.memory_space<semaphore_mem>>
      %dma_start3A_686 = tpu.memref_slice %arg5[%mul3A_2] : memref<4096xi32, #tpu.memory_space<hbm>> -> memref<128xi32, #tpu.memory_space<hbm>>
      %dma_start3A_687 = tpu.memref_slice %arg5[%mul3A_2] : memref<4096xi32, #tpu.memory_space<hbm>> -> memref<128xi32, #tpu.memory_space<hbm>>
      tpu.enqueue_dma source(%dma_start3A_687 : memref<128xi32, #tpu.memory_space<hbm>>) target(%arg8 : memref<128xi32, #tpu.memory_space<vmem>>) target_semaphore(%run_scoped3A : memref<!tpu.dma_semaphore, #tpu.memory_space<semaphore_mem>>)
      %dma_wait3A_688 = tpu.memref_slice %arg5[%mul3A_2] : memref<4096xi32, #tpu.memory_space<hbm>> -> memref<128xi32, #tpu.memory_space<hbm>>
      %dma_wait3A_689 = tpu.memref_slice %arg5[%mul3A_2] : memref<4096xi32, #tpu.memory_space<hbm>> -> memref<128xi32, #tpu.memory_space<hbm>>
      tpu.wait_dma2 semaphore(%run_scoped3A : memref<!tpu.dma_semaphore, #tpu.memory_space<semaphore_mem>>) src(%dma_wait3A_689 : memref<128xi32, #tpu.memory_space<hbm>>) dst(%arg8 : memref<128xi32, #tpu.memory_space<vmem>>)
      tpu.yield
    }) : () -> ()
    %iota3A = tpu.iota {dimensions = array<i32: 0>} : vector<16xi32>
    %add3A_3 = arith.constant 0 : i32
    %add3A_4 = arith.addi %mul3A_2, %add3A_3 : i32
    %add3A_5 = vector.broadcast %add3A_4 : i32 to vector<16xi32>
    %add3A_6 = arith.addi %add3A_5, %iota3A : vector<16xi32>
    %get3A = arith.constant 0 : index
    %get3A_7 = tpu.vector_load %arg7[%get3A] {strides = array<i32>} : memref<128xi32, #tpu.memory_space<vmem>>, vector<16xi32>,
    %get3A_8 = vector.shape_cast %get3A_7 : vector<16xi32> to vector<16xi32>
    %mul3A_9 = arith.constant 4096 : i32
    %mul3A_10 = vector.broadcast %mul3A_9 : i32 to vector<16xi32>
    %mul3A_11 = arith.muli %get3A_8, %mul3A_10 : vector<16xi32>
    %add3A_12 = arith.addi %mul3A_11, %add3A_6 : vector<16xi32>
    %swap3A = arith.constant 0 : index
    %swap3A_13 = tpu.vector_load %arg9[%swap3A] {strides = array<i32>} : memref<128xi32, #tpu.memory_space<vmem>>, vector<16xi32>,
    %swap3A_14 = vector.shape_cast %swap3A_13 : vector<16xi32> to vector<16xi32>
    %swap3A_15 = vector.shape_cast %add3A_12 : vector<16xi32> to vector<16xi32>
    tpu.vector_store %arg9[%swap3A], %swap3A_15 {strides = array<i32>} : memref<128xi32, #tpu.memory_space<vmem>>, vector<16xi32>,
    %get3A_16 = arith.constant 0 : index
    %get3A_17 = tpu.vector_load %arg8[%get3A_16] {strides = array<i32>} : memref<128xi32, #tpu.memory_space<vmem>>, vector<16xi32>,
    %get3A_18 = vector.shape_cast %get3A_17 : vector<16xi32> to vector<16xi32>
    %mul3A_19 = arith.constant 4096 : i32
    %mul3A_20 = vector.broadcast %mul3A_19 : i32 to vector<16xi32>
    %mul3A_21 = arith.muli %get3A_18, %mul3A_20 : vector<16xi32>
    %add3A_22 = arith.addi %mul3A_21, %add3A_6 : vector<16xi32>
    %swap3A_23 = arith.constant 0 : index
    %swap3A_24 = tpu.vector_load %arg10[%swap3A_23] {strides = array<i32>} : memref<128xi32, #tpu.memory_space<vmem>>, vector<16xi32>,
    %swap3A_25 = vector.shape_cast %swap3A_24 : vector<16xi32> to vector<16xi32>
    %swap3A_26 = vector.shape_cast %add3A_22 : vector<16xi32> to vector<16xi32>
    tpu.vector_store %arg10[%swap3A_23], %swap3A_26 {strides = array<i32>} : memref<128xi32, #tpu.memory_space<vmem>>, vector<16xi32>,
    %add3A_27 = arith.constant 16 : i32
    %add3A_28 = arith.addi %mul3A_2, %add3A_27 : i32
    %add3A_29 = vector.broadcast %add3A_28 : i32 to vector<16xi32>
    %add3A_30 = arith.addi %add3A_29, %iota3A : vector<16xi32>
    %get3A_31 = arith.constant 16 : index
    %get3A_32 = tpu.vector_load %arg7[%get3A_31] {strides = array<i32>} : memref<128xi32, #tpu.memory_space<vmem>>, vector<16xi32>,
    %get3A_33 = vector.shape_cast %get3A_32 : vector<16xi32> to vector<16xi32>
    %mul3A_34 = arith.constant 4096 : i32
    %mul3A_35 = vector.broadcast %mul3A_34 : i32 to vector<16xi32>
    %mul3A_36 = arith.muli %get3A_33, %mul3A_35 : vector<16xi32>
    %add3A_37 = arith.addi %mul3A_36, %add3A_30 : vector<16xi32>
    %swap3A_38 = arith.constant 16 : index
    %swap3A_39 = tpu.vector_load %arg9[%swap3A_38] {strides = array<i32>} : memref<128xi32, #tpu.memory_space<vmem>>, vector<16xi32>,
    %swap3A_40 = vector.shape_cast %swap3A_39 : vector<16xi32> to vector<16xi32>
    %swap3A_41 = vector.shape_cast %add3A_37 : vector<16xi32> to vector<16xi32>
    tpu.vector_store %arg9[%swap3A_38], %swap3A_41 {strides = array<i32>} : memref<128xi32, #tpu.memory_space<vmem>>, vector<16xi32>,
    %get3A_42 = arith.constant 16 : index
    %get3A_43 = tpu.vector_load %arg8[%get3A_42] {strides = array<i32>} : memref<128xi32, #tpu.memory_space<vmem>>, vector<16xi32>,
    %get3A_44 = vector.shape_cast %get3A_43 : vector<16xi32> to vector<16xi32>
    %mul3A_45 = arith.constant 4096 : i32
    %mul3A_46 = vector.broadcast %mul3A_45 : i32 to vector<16xi32>
    %mul3A_47 = arith.muli %get3A_44, %mul3A_46 : vector<16xi32>
    %add3A_48 = arith.addi %mul3A_47, %add3A_30 : vector<16xi32>
    %swap3A_49 = arith.constant 16 : index
    %swap3A_50 = tpu.vector_load %arg10[%swap3A_49] {strides = array<i32>} : memref<128xi32, #tpu.memory_space<vmem>>, vector<16xi32>,
    %swap3A_51 = vector.shape_cast %swap3A_50 : vector<16xi32> to vector<16xi32>
    %swap3A_52 = vector.shape_cast %add3A_48 : vector<16xi32> to vector<16xi32>
    tpu.vector_store %arg10[%swap3A_49], %swap3A_52 {strides = array<i32>} : memref<128xi32, #tpu.memory_space<vmem>>, vector<16xi32>,
    %add3A_53 = arith.constant 32 : i32
    %add3A_54 = arith.addi %mul3A_2, %add3A_53 : i32
    %add3A_55 = vector.broadcast %add3A_54 : i32 to vector<16xi32>
    %add3A_56 = arith.addi %add3A_55, %iota3A : vector<16xi32>
    %get3A_57 = arith.constant 32 : index
    %get3A_58 = tpu.vector_load %arg7[%get3A_57] {strides = array<i32>} : memref<128xi32, #tpu.memory_space<vmem>>, vector<16xi32>,
    %get3A_59 = vector.shape_cast %get3A_58 : vector<16xi32> to vector<16xi32>
    %mul3A_60 = arith.constant 4096 : i32
    %mul3A_61 = vector.broadcast %mul3A_60 : i32 to vector<16xi32>
    %mul3A_62 = arith.muli %get3A_59, %mul3A_61 : vector<16xi32>
    %add3A_63 = arith.addi %mul3A_62, %add3A_56 : vector<16xi32>
    %swap3A_64 = arith.constant 32 : index
    %swap3A_65 = tpu.vector_load %arg9[%swap3A_64] {strides = array<i32>} : memref<128xi32, #tpu.memory_space<vmem>>, vector<16xi32>,
    %swap3A_66 = vector.shape_cast %swap3A_65 : vector<16xi32> to vector<16xi32>
    %swap3A_67 = vector.shape_cast %add3A_63 : vector<16xi32> to vector<16xi32>
    tpu.vector_store %arg9[%swap3A_64], %swap3A_67 {strides = array<i32>} : memref<128xi32, #tpu.memory_space<vmem>>, vector<16xi32>,
    %get3A_68 = arith.constant 32 : index
    %get3A_69 = tpu.vector_load %arg8[%get3A_68] {strides = array<i32>} : memref<128xi32, #tpu.memory_space<vmem>>, vector<16xi32>,
    %get3A_70 = vector.shape_cast %get3A_69 : vector<16xi32> to vector<16xi32>
    %mul3A_71 = arith.constant 4096 : i32
    %mul3A_72 = vector.broadcast %mul3A_71 : i32 to vector<16xi32>
    %mul3A_73 = arith.muli %get3A_70, %mul3A_72 : vector<16xi32>
    %add3A_74 = arith.addi %mul3A_73, %add3A_56 : vector<16xi32>
    %swap3A_75 = arith.constant 32 : index
    %swap3A_76 = tpu.vector_load %arg10[%swap3A_75] {strides = array<i32>} : memref<128xi32, #tpu.memory_space<vmem>>, vector<16xi32>,
    %swap3A_77 = vector.shape_cast %swap3A_76 : vector<16xi32> to vector<16xi32>
    %swap3A_78 = vector.shape_cast %add3A_74 : vector<16xi32> to vector<16xi32>
    tpu.vector_store %arg10[%swap3A_75], %swap3A_78 {strides = array<i32>} : memref<128xi32, #tpu.memory_space<vmem>>, vector<16xi32>,
    %add3A_79 = arith.constant 48 : i32
    %add3A_80 = arith.addi %mul3A_2, %add3A_79 : i32
    %add3A_81 = vector.broadcast %add3A_80 : i32 to vector<16xi32>
    %add3A_82 = arith.addi %add3A_81, %iota3A : vector<16xi32>
    %get3A_83 = arith.constant 48 : index
    %get3A_84 = tpu.vector_load %arg7[%get3A_83] {strides = array<i32>} : memref<128xi32, #tpu.memory_space<vmem>>, vector<16xi32>,
    %get3A_85 = vector.shape_cast %get3A_84 : vector<16xi32> to vector<16xi32>
    %mul3A_86 = arith.constant 4096 : i32
    %mul3A_87 = vector.broadcast %mul3A_86 : i32 to vector<16xi32>
    %mul3A_88 = arith.muli %get3A_85, %mul3A_87 : vector<16xi32>
    %add3A_89 = arith.addi %mul3A_88, %add3A_82 : vector<16xi32>
    %swap3A_90 = arith.constant 48 : index
    %swap3A_91 = tpu.vector_load %arg9[%swap3A_90] {strides = array<i32>} : memref<128xi32, #tpu.memory_space<vmem>>, vector<16xi32>,
    %swap3A_92 = vector.shape_cast %swap3A_91 : vector<16xi32> to vector<16xi32>
    %swap3A_93 = vector.shape_cast %add3A_89 : vector<16xi32> to vector<16xi32>
    tpu.vector_store %arg9[%swap3A_90], %swap3A_93 {strides = array<i32>} : memref<128xi32, #tpu.memory_space<vmem>>, vector<16xi32>,
    %get3A_94 = arith.constant 48 : index
    %get3A_95 = tpu.vector_load %arg8[%get3A_94] {strides = array<i32>} : memref<128xi32, #tpu.memory_space<vmem>>, vector<16xi32>,
    %get3A_96 = vector.shape_cast %get3A_95 : vector<16xi32> to vector<16xi32>
    %mul3A_97 = arith.constant 4096 : i32
    %mul3A_98 = vector.broadcast %mul3A_97 : i32 to vector<16xi32>
    %mul3A_99 = arith.muli %get3A_96, %mul3A_98 : vector<16xi32>
    %add3A_100 = arith.addi %mul3A_99, %add3A_82 : vector<16xi32>
    %swap3A_101 = arith.constant 48 : index
    %swap3A_102 = tpu.vector_load %arg10[%swap3A_101] {strides = array<i32>} : memref<128xi32, #tpu.memory_space<vmem>>, vector<16xi32>,
    %swap3A_103 = vector.shape_cast %swap3A_102 : vector<16xi32> to vector<16xi32>
    %swap3A_104 = vector.shape_cast %add3A_100 : vector<16xi32> to vector<16xi32>
    tpu.vector_store %arg10[%swap3A_101], %swap3A_104 {strides = array<i32>} : memref<128xi32, #tpu.memory_space<vmem>>, vector<16xi32>,
    %add3A_105 = arith.constant 64 : i32
    %add3A_106 = arith.addi %mul3A_2, %add3A_105 : i32
    %add3A_107 = vector.broadcast %add3A_106 : i32 to vector<16xi32>
    %add3A_108 = arith.addi %add3A_107, %iota3A : vector<16xi32>
    %get3A_109 = arith.constant 64 : index
    %get3A_110 = tpu.vector_load %arg7[%get3A_109] {strides = array<i32>} : memref<128xi32, #tpu.memory_space<vmem>>, vector<16xi32>,
    %get3A_111 = vector.shape_cast %get3A_110 : vector<16xi32> to vector<16xi32>
    %mul3A_112 = arith.constant 4096 : i32
    %mul3A_113 = vector.broadcast %mul3A_112 : i32 to vector<16xi32>
    %mul3A_114 = arith.muli %get3A_111, %mul3A_113 : vector<16xi32>
    %add3A_115 = arith.addi %mul3A_114, %add3A_108 : vector<16xi32>
    %swap3A_116 = arith.constant 64 : index
    %swap3A_117 = tpu.vector_load %arg9[%swap3A_116] {strides = array<i32>} : memref<128xi32, #tpu.memory_space<vmem>>, vector<16xi32>,
    %swap3A_118 = vector.shape_cast %swap3A_117 : vector<16xi32> to vector<16xi32>
    %swap3A_119 = vector.shape_cast %add3A_115 : vector<16xi32> to vector<16xi32>
    tpu.vector_store %arg9[%swap3A_116], %swap3A_119 {strides = array<i32>} : memref<128xi32, #tpu.memory_space<vmem>>, vector<16xi32>,
    %get3A_120 = arith.constant 64 : index
    %get3A_121 = tpu.vector_load %arg8[%get3A_120] {strides = array<i32>} : memref<128xi32, #tpu.memory_space<vmem>>, vector<16xi32>,
    %get3A_122 = vector.shape_cast %get3A_121 : vector<16xi32> to vector<16xi32>
    %mul3A_123 = arith.constant 4096 : i32
    %mul3A_124 = vector.broadcast %mul3A_123 : i32 to vector<16xi32>
    %mul3A_125 = arith.muli %get3A_122, %mul3A_124 : vector<16xi32>
    %add3A_126 = arith.addi %mul3A_125, %add3A_108 : vector<16xi32>
    %swap3A_127 = arith.constant 64 : index
    %swap3A_128 = tpu.vector_load %arg10[%swap3A_127] {strides = array<i32>} : memref<128xi32, #tpu.memory_space<vmem>>, vector<16xi32>,
    %swap3A_129 = vector.shape_cast %swap3A_128 : vector<16xi32> to vector<16xi32>
    %swap3A_130 = vector.shape_cast %add3A_126 : vector<16xi32> to vector<16xi32>
    tpu.vector_store %arg10[%swap3A_127], %swap3A_130 {strides = array<i32>} : memref<128xi32, #tpu.memory_space<vmem>>, vector<16xi32>,
    %add3A_131 = arith.constant 80 : i32
    %add3A_132 = arith.addi %mul3A_2, %add3A_131 : i32
    %add3A_133 = vector.broadcast %add3A_132 : i32 to vector<16xi32>
    %add3A_134 = arith.addi %add3A_133, %iota3A : vector<16xi32>
    %get3A_135 = arith.constant 80 : index
    %get3A_136 = tpu.vector_load %arg7[%get3A_135] {strides = array<i32>} : memref<128xi32, #tpu.memory_space<vmem>>, vector<16xi32>,
    %get3A_137 = vector.shape_cast %get3A_136 : vector<16xi32> to vector<16xi32>
    %mul3A_138 = arith.constant 4096 : i32
    %mul3A_139 = vector.broadcast %mul3A_138 : i32 to vector<16xi32>
    %mul3A_140 = arith.muli %get3A_137, %mul3A_139 : vector<16xi32>
    %add3A_141 = arith.addi %mul3A_140, %add3A_134 : vector<16xi32>
    %swap3A_142 = arith.constant 80 : index
    %swap3A_143 = tpu.vector_load %arg9[%swap3A_142] {strides = array<i32>} : memref<128xi32, #tpu.memory_space<vmem>>, vector<16xi32>,
    %swap3A_144 = vector.shape_cast %swap3A_143 : vector<16xi32> to vector<16xi32>
    %swap3A_145 = vector.shape_cast %add3A_141 : vector<16xi32> to vector<16xi32>
    tpu.vector_store %arg9[%swap3A_142], %swap3A_145 {strides = array<i32>} : memref<128xi32, #tpu.memory_space<vmem>>, vector<16xi32>,
    %get3A_146 = arith.constant 80 : index
    %get3A_147 = tpu.vector_load %arg8[%get3A_146] {strides = array<i32>} : memref<128xi32, #tpu.memory_space<vmem>>, vector<16xi32>,
    %get3A_148 = vector.shape_cast %get3A_147 : vector<16xi32> to vector<16xi32>
    %mul3A_149 = arith.constant 4096 : i32
    %mul3A_150 = vector.broadcast %mul3A_149 : i32 to vector<16xi32>
    %mul3A_151 = arith.muli %get3A_148, %mul3A_150 : vector<16xi32>
    %add3A_152 = arith.addi %mul3A_151, %add3A_134 : vector<16xi32>
    %swap3A_153 = arith.constant 80 : index
    %swap3A_154 = tpu.vector_load %arg10[%swap3A_153] {strides = array<i32>} : memref<128xi32, #tpu.memory_space<vmem>>, vector<16xi32>,
    %swap3A_155 = vector.shape_cast %swap3A_154 : vector<16xi32> to vector<16xi32>
    %swap3A_156 = vector.shape_cast %add3A_152 : vector<16xi32> to vector<16xi32>
    tpu.vector_store %arg10[%swap3A_153], %swap3A_156 {strides = array<i32>} : memref<128xi32, #tpu.memory_space<vmem>>, vector<16xi32>,
    %add3A_157 = arith.constant 96 : i32
    %add3A_158 = arith.addi %mul3A_2, %add3A_157 : i32
    %add3A_159 = vector.broadcast %add3A_158 : i32 to vector<16xi32>
    %add3A_160 = arith.addi %add3A_159, %iota3A : vector<16xi32>
    %get3A_161 = arith.constant 96 : index
    %get3A_162 = tpu.vector_load %arg7[%get3A_161] {strides = array<i32>} : memref<128xi32, #tpu.memory_space<vmem>>, vector<16xi32>,
    %get3A_163 = vector.shape_cast %get3A_162 : vector<16xi32> to vector<16xi32>
    %mul3A_164 = arith.constant 4096 : i32
    %mul3A_165 = vector.broadcast %mul3A_164 : i32 to vector<16xi32>
    %mul3A_166 = arith.muli %get3A_163, %mul3A_165 : vector<16xi32>
    %add3A_167 = arith.addi %mul3A_166, %add3A_160 : vector<16xi32>
    %swap3A_168 = arith.constant 96 : index
    %swap3A_169 = tpu.vector_load %arg9[%swap3A_168] {strides = array<i32>} : memref<128xi32, #tpu.memory_space<vmem>>, vector<16xi32>,
    %swap3A_170 = vector.shape_cast %swap3A_169 : vector<16xi32> to vector<16xi32>
    %swap3A_171 = vector.shape_cast %add3A_167 : vector<16xi32> to vector<16xi32>
    tpu.vector_store %arg9[%swap3A_168], %swap3A_171 {strides = array<i32>} : memref<128xi32, #tpu.memory_space<vmem>>, vector<16xi32>,
    %get3A_172 = arith.constant 96 : index
    %get3A_173 = tpu.vector_load %arg8[%get3A_172] {strides = array<i32>} : memref<128xi32, #tpu.memory_space<vmem>>, vector<16xi32>,
    %get3A_174 = vector.shape_cast %get3A_173 : vector<16xi32> to vector<16xi32>
    %mul3A_175 = arith.constant 4096 : i32
    %mul3A_176 = vector.broadcast %mul3A_175 : i32 to vector<16xi32>
    %mul3A_177 = arith.muli %get3A_174, %mul3A_176 : vector<16xi32>
    %add3A_178 = arith.addi %mul3A_177, %add3A_160 : vector<16xi32>
    %swap3A_179 = arith.constant 96 : index
    %swap3A_180 = tpu.vector_load %arg10[%swap3A_179] {strides = array<i32>} : memref<128xi32, #tpu.memory_space<vmem>>, vector<16xi32>,
    %swap3A_181 = vector.shape_cast %swap3A_180 : vector<16xi32> to vector<16xi32>
    %swap3A_182 = vector.shape_cast %add3A_178 : vector<16xi32> to vector<16xi32>
    tpu.vector_store %arg10[%swap3A_179], %swap3A_182 {strides = array<i32>} : memref<128xi32, #tpu.memory_space<vmem>>, vector<16xi32>,
    %add3A_183 = arith.constant 112 : i32
    %add3A_184 = arith.addi %mul3A_2, %add3A_183 : i32
    %add3A_185 = vector.broadcast %add3A_184 : i32 to vector<16xi32>
    %add3A_186 = arith.addi %add3A_185, %iota3A : vector<16xi32>
    %get3A_187 = arith.constant 112 : index
    %get3A_188 = tpu.vector_load %arg7[%get3A_187] {strides = array<i32>} : memref<128xi32, #tpu.memory_space<vmem>>, vector<16xi32>,
    %get3A_189 = vector.shape_cast %get3A_188 : vector<16xi32> to vector<16xi32>
    %mul3A_190 = arith.constant 4096 : i32
    %mul3A_191 = vector.broadcast %mul3A_190 : i32 to vector<16xi32>
    %mul3A_192 = arith.muli %get3A_189, %mul3A_191 : vector<16xi32>
    %add3A_193 = arith.addi %mul3A_192, %add3A_186 : vector<16xi32>
    %swap3A_194 = arith.constant 112 : index
    %swap3A_195 = tpu.vector_load %arg9[%swap3A_194] {strides = array<i32>} : memref<128xi32, #tpu.memory_space<vmem>>, vector<16xi32>,
    %swap3A_196 = vector.shape_cast %swap3A_195 : vector<16xi32> to vector<16xi32>
    %swap3A_197 = vector.shape_cast %add3A_193 : vector<16xi32> to vector<16xi32>
    tpu.vector_store %arg9[%swap3A_194], %swap3A_197 {strides = array<i32>} : memref<128xi32, #tpu.memory_space<vmem>>, vector<16xi32>,
    %get3A_198 = arith.constant 112 : index
    %get3A_199 = tpu.vector_load %arg8[%get3A_198] {strides = array<i32>} : memref<128xi32, #tpu.memory_space<vmem>>, vector<16xi32>,
    %get3A_200 = vector.shape_cast %get3A_199 : vector<16xi32> to vector<16xi32>
    %mul3A_201 = arith.constant 4096 : i32
    %mul3A_202 = vector.broadcast %mul3A_201 : i32 to vector<16xi32>
    %mul3A_203 = arith.muli %get3A_200, %mul3A_202 : vector<16xi32>
    %add3A_204 = arith.addi %mul3A_203, %add3A_186 : vector<16xi32>
    %swap3A_205 = arith.constant 112 : index
    %swap3A_206 = tpu.vector_load %arg10[%swap3A_205] {strides = array<i32>} : memref<128xi32, #tpu.memory_space<vmem>>, vector<16xi32>,
    %swap3A_207 = vector.shape_cast %swap3A_206 : vector<16xi32> to vector<16xi32>
    %swap3A_208 = vector.shape_cast %add3A_204 : vector<16xi32> to vector<16xi32>
    tpu.vector_store %arg10[%swap3A_205], %swap3A_208 {strides = array<i32>} : memref<128xi32, #tpu.memory_space<vmem>>, vector<16xi32>,
    %dma_start3A = arith.constant 0 : i32
    %dma_start3A_209 = tpu.memref_slice %arg2[%dma_start3A] : memref<49152xf32, #tpu.memory_space<hbm>> -> memref<49152xf32, #tpu.memory_space<hbm>>
    tpu.enqueue_indirect_dma source(%dma_start3A_209 : memref<49152xf32, #tpu.memory_space<hbm>>) target(%arg11 : memref<128xf32, #tpu.memory_space<vmem>>) offsets(%arg9 : memref<128xi32, #tpu.memory_space<vmem>>) semaphore(%arg14 : memref<!tpu.dma_semaphore, #tpu.memory_space<semaphore_mem>>)
    %dma_start3A_210 = arith.constant 0 : i32
    %dma_start3A_211 = tpu.memref_slice %arg3[%dma_start3A_210] : memref<16384xf32, #tpu.memory_space<hbm>> -> memref<16384xf32, #tpu.memory_space<hbm>>
    tpu.enqueue_indirect_dma source(%dma_start3A_211 : memref<16384xf32, #tpu.memory_space<hbm>>) target(%arg12 : memref<128xf32, #tpu.memory_space<vmem>>) offsets(%arg10 : memref<128xi32, #tpu.memory_space<vmem>>) semaphore(%arg14 : memref<!tpu.dma_semaphore, #tpu.memory_space<semaphore_mem>>)
    %dma_wait3A = arith.constant 0 : i32
    %dma_wait3A_212 = tpu.memref_slice %arg2[%dma_wait3A] : memref<49152xf32, #tpu.memory_space<hbm>> -> memref<49152xf32, #tpu.memory_space<hbm>>
    tpu.wait_indirect_dma semaphore(%arg14 : memref<!tpu.dma_semaphore, #tpu.memory_space<semaphore_mem>>) src(%dma_wait3A_212 : memref<49152xf32, #tpu.memory_space<hbm>>) dst(%arg11 : memref<128xf32, #tpu.memory_space<vmem>>)
    %dma_wait3A_213 = arith.constant 0 : i32
    %dma_wait3A_214 = tpu.memref_slice %arg3[%dma_wait3A_213] : memref<16384xf32, #tpu.memory_space<hbm>> -> memref<16384xf32, #tpu.memory_space<hbm>>
    tpu.wait_indirect_dma semaphore(%arg14 : memref<!tpu.dma_semaphore, #tpu.memory_space<semaphore_mem>>) src(%dma_wait3A_214 : memref<16384xf32, #tpu.memory_space<hbm>>) dst(%arg12 : memref<128xf32, #tpu.memory_space<vmem>>)
    %broadcast_in_dim3A = arith.constant 0.000000e+00 : f32
    %broadcast_in_dim3A_215 = vector.broadcast %broadcast_in_dim3A : f32 to vector<16xf32>
    %broadcast_in_dim3A_216 = arith.constant 1.000000e+00 : f32
    %broadcast_in_dim3A_217 = vector.broadcast %broadcast_in_dim3A_216 : f32 to vector<16xf32>
    %get3A_218 = arith.constant 0 : index
    %get3A_219 = tpu.vector_load %arg8[%get3A_218] {strides = array<i32>} : memref<128xi32, #tpu.memory_space<vmem>>, vector<16xi32>,
    %get3A_220 = vector.shape_cast %get3A_219 : vector<16xi32> to vector<16xi32>
    %get3A_221 = arith.constant 0 : index
    %get3A_222 = tpu.vector_load %arg11[%get3A_221] {strides = array<i32>} : memref<128xf32, #tpu.memory_space<vmem>>, vector<16xf32>,
    %get3A_223 = vector.shape_cast %get3A_222 : vector<16xf32> to vector<16xf32>
    %sub3A = arith.constant 1.000000e+00 : f32
    %sub3A_224 = vector.broadcast %sub3A : f32 to vector<16xf32>
    %sub3A_225 = arith.subf %sub3A_224, %get3A_223 : vector<16xf32>
    %abs3A = math.absf %sub3A_225 : vector<16xf32>
    %get3A_226 = arith.constant 0 : index
    %get3A_227 = tpu.vector_load %arg12[%get3A_226] {strides = array<i32>} : memref<128xf32, #tpu.memory_space<vmem>>, vector<16xf32>,
    %get3A_228 = vector.shape_cast %get3A_227 : vector<16xf32> to vector<16xf32>
    %sub3A_229 = arith.constant 1.000000e+00 : f32
    %sub3A_230 = vector.broadcast %sub3A_229 : f32 to vector<16xf32>
    %sub3A_231 = arith.subf %sub3A_230, %get3A_228 : vector<16xf32>
    %abs3A_232 = math.absf %sub3A_231 : vector<16xf32>
    %eq3A = arith.constant 0 : i32
    %eq3A_233 = vector.broadcast %eq3A : i32 to vector<16xi32>
    %eq3A_234 = arith.cmpi eq, %get3A_220, %eq3A_233 : vector<16xi32>
    %select_n3A = arith.select %eq3A_234, %abs3A, %broadcast_in_dim3A_215 : vector<16xi1>, vector<16xf32>
    %add3A_235 = arith.addf %broadcast_in_dim3A_215, %select_n3A : vector<16xf32>
    %select_n3A_236 = arith.select %eq3A_234, %abs3A_232, %broadcast_in_dim3A_215 : vector<16xi1>, vector<16xf32>
    %add3A_237 = arith.addf %broadcast_in_dim3A_215, %select_n3A_236 : vector<16xf32>
    %select_n3A_238 = arith.select %eq3A_234, %broadcast_in_dim3A_217, %broadcast_in_dim3A_215 : vector<16xi1>, vector<16xf32>
    %add3A_239 = arith.addf %broadcast_in_dim3A_215, %select_n3A_238 : vector<16xf32>
    %eq3A_240 = arith.constant 1 : i32
    %eq3A_241 = vector.broadcast %eq3A_240 : i32 to vector<16xi32>
    %eq3A_242 = arith.cmpi eq, %get3A_220, %eq3A_241 : vector<16xi32>
    %select_n3A_243 = arith.select %eq3A_242, %abs3A, %broadcast_in_dim3A_215 : vector<16xi1>, vector<16xf32>
    %add3A_244 = arith.addf %broadcast_in_dim3A_215, %select_n3A_243 : vector<16xf32>
    %select_n3A_245 = arith.select %eq3A_242, %abs3A_232, %broadcast_in_dim3A_215 : vector<16xi1>, vector<16xf32>
    %add3A_246 = arith.addf %broadcast_in_dim3A_215, %select_n3A_245 : vector<16xf32>
    %select_n3A_247 = arith.select %eq3A_242, %broadcast_in_dim3A_217, %broadcast_in_dim3A_215 : vector<16xi1>, vector<16xf32>
    %add3A_248 = arith.addf %broadcast_in_dim3A_215, %select_n3A_247 : vector<16xf32>
    %eq3A_249 = arith.constant 2 : i32
    %eq3A_250 = vector.broadcast %eq3A_249 : i32 to vector<16xi32>
    %eq3A_251 = arith.cmpi eq, %get3A_220, %eq3A_250 : vector<16xi32>
    %select_n3A_252 = arith.select %eq3A_251, %abs3A, %broadcast_in_dim3A_215 : vector<16xi1>, vector<16xf32>
    %add3A_253 = arith.addf %broadcast_in_dim3A_215, %select_n3A_252 : vector<16xf32>
    %select_n3A_254 = arith.select %eq3A_251, %abs3A_232, %broadcast_in_dim3A_215 : vector<16xi1>, vector<16xf32>
    %add3A_255 = arith.addf %broadcast_in_dim3A_215, %select_n3A_254 : vector<16xf32>
    %select_n3A_256 = arith.select %eq3A_251, %broadcast_in_dim3A_217, %broadcast_in_dim3A_215 : vector<16xi1>, vector<16xf32>
    %add3A_257 = arith.addf %broadcast_in_dim3A_215, %select_n3A_256 : vector<16xf32>
    %eq3A_258 = arith.constant 3 : i32
    %eq3A_259 = vector.broadcast %eq3A_258 : i32 to vector<16xi32>
    %eq3A_260 = arith.cmpi eq, %get3A_220, %eq3A_259 : vector<16xi32>
    %select_n3A_261 = arith.select %eq3A_260, %abs3A, %broadcast_in_dim3A_215 : vector<16xi1>, vector<16xf32>
    %add3A_262 = arith.addf %broadcast_in_dim3A_215, %select_n3A_261 : vector<16xf32>
    %select_n3A_263 = arith.select %eq3A_260, %abs3A_232, %broadcast_in_dim3A_215 : vector<16xi1>, vector<16xf32>
    %add3A_264 = arith.addf %broadcast_in_dim3A_215, %select_n3A_263 : vector<16xf32>
    %select_n3A_265 = arith.select %eq3A_260, %broadcast_in_dim3A_217, %broadcast_in_dim3A_215 : vector<16xi1>, vector<16xf32>
    %add3A_266 = arith.addf %broadcast_in_dim3A_215, %select_n3A_265 : vector<16xf32>
    %get3A_267 = arith.constant 16 : index
    %get3A_268 = tpu.vector_load %arg8[%get3A_267] {strides = array<i32>} : memref<128xi32, #tpu.memory_space<vmem>>, vector<16xi32>,
    %get3A_269 = vector.shape_cast %get3A_268 : vector<16xi32> to vector<16xi32>
    %get3A_270 = arith.constant 16 : index
    %get3A_271 = tpu.vector_load %arg11[%get3A_270] {strides = array<i32>} : memref<128xf32, #tpu.memory_space<vmem>>, vector<16xf32>,
    %get3A_272 = vector.shape_cast %get3A_271 : vector<16xf32> to vector<16xf32>
    %sub3A_273 = arith.constant 1.000000e+00 : f32
    %sub3A_274 = vector.broadcast %sub3A_273 : f32 to vector<16xf32>
    %sub3A_275 = arith.subf %sub3A_274, %get3A_272 : vector<16xf32>
    %abs3A_276 = math.absf %sub3A_275 : vector<16xf32>
    %get3A_277 = arith.constant 16 : index
    %get3A_278 = tpu.vector_load %arg12[%get3A_277] {strides = array<i32>} : memref<128xf32, #tpu.memory_space<vmem>>, vector<16xf32>,
    %get3A_279 = vector.shape_cast %get3A_278 : vector<16xf32> to vector<16xf32>
    %sub3A_280 = arith.constant 1.000000e+00 : f32
    %sub3A_281 = vector.broadcast %sub3A_280 : f32 to vector<16xf32>
    %sub3A_282 = arith.subf %sub3A_281, %get3A_279 : vector<16xf32>
    %abs3A_283 = math.absf %sub3A_282 : vector<16xf32>
    %eq3A_284 = arith.constant 0 : i32
    %eq3A_285 = vector.broadcast %eq3A_284 : i32 to vector<16xi32>
    %eq3A_286 = arith.cmpi eq, %get3A_269, %eq3A_285 : vector<16xi32>
    %select_n3A_287 = arith.select %eq3A_286, %abs3A_276, %broadcast_in_dim3A_215 : vector<16xi1>, vector<16xf32>
    %add3A_288 = arith.addf %add3A_235, %select_n3A_287 : vector<16xf32>
    %select_n3A_289 = arith.select %eq3A_286, %abs3A_283, %broadcast_in_dim3A_215 : vector<16xi1>, vector<16xf32>
    %add3A_290 = arith.addf %add3A_237, %select_n3A_289 : vector<16xf32>
    %select_n3A_291 = arith.select %eq3A_286, %broadcast_in_dim3A_217, %broadcast_in_dim3A_215 : vector<16xi1>, vector<16xf32>
    %add3A_292 = arith.addf %add3A_239, %select_n3A_291 : vector<16xf32>
    %eq3A_293 = arith.constant 1 : i32
    %eq3A_294 = vector.broadcast %eq3A_293 : i32 to vector<16xi32>
    %eq3A_295 = arith.cmpi eq, %get3A_269, %eq3A_294 : vector<16xi32>
    %select_n3A_296 = arith.select %eq3A_295, %abs3A_276, %broadcast_in_dim3A_215 : vector<16xi1>, vector<16xf32>
    %add3A_297 = arith.addf %add3A_244, %select_n3A_296 : vector<16xf32>
    %select_n3A_298 = arith.select %eq3A_295, %abs3A_283, %broadcast_in_dim3A_215 : vector<16xi1>, vector<16xf32>
    %add3A_299 = arith.addf %add3A_246, %select_n3A_298 : vector<16xf32>
    %select_n3A_300 = arith.select %eq3A_295, %broadcast_in_dim3A_217, %broadcast_in_dim3A_215 : vector<16xi1>, vector<16xf32>
    %add3A_301 = arith.addf %add3A_248, %select_n3A_300 : vector<16xf32>
    %eq3A_302 = arith.constant 2 : i32
    %eq3A_303 = vector.broadcast %eq3A_302 : i32 to vector<16xi32>
    %eq3A_304 = arith.cmpi eq, %get3A_269, %eq3A_303 : vector<16xi32>
    %select_n3A_305 = arith.select %eq3A_304, %abs3A_276, %broadcast_in_dim3A_215 : vector<16xi1>, vector<16xf32>
    %add3A_306 = arith.addf %add3A_253, %select_n3A_305 : vector<16xf32>
    %select_n3A_307 = arith.select %eq3A_304, %abs3A_283, %broadcast_in_dim3A_215 : vector<16xi1>, vector<16xf32>
    %add3A_308 = arith.addf %add3A_255, %select_n3A_307 : vector<16xf32>
    %select_n3A_309 = arith.select %eq3A_304, %broadcast_in_dim3A_217, %broadcast_in_dim3A_215 : vector<16xi1>, vector<16xf32>
    %add3A_310 = arith.addf %add3A_257, %select_n3A_309 : vector<16xf32>
    %eq3A_311 = arith.constant 3 : i32
    %eq3A_312 = vector.broadcast %eq3A_311 : i32 to vector<16xi32>
    %eq3A_313 = arith.cmpi eq, %get3A_269, %eq3A_312 : vector<16xi32>
    %select_n3A_314 = arith.select %eq3A_313, %abs3A_276, %broadcast_in_dim3A_215 : vector<16xi1>, vector<16xf32>
    %add3A_315 = arith.addf %add3A_262, %select_n3A_314 : vector<16xf32>
    %select_n3A_316 = arith.select %eq3A_313, %abs3A_283, %broadcast_in_dim3A_215 : vector<16xi1>, vector<16xf32>
    %add3A_317 = arith.addf %add3A_264, %select_n3A_316 : vector<16xf32>
    %select_n3A_318 = arith.select %eq3A_313, %broadcast_in_dim3A_217, %broadcast_in_dim3A_215 : vector<16xi1>, vector<16xf32>
    %add3A_319 = arith.addf %add3A_266, %select_n3A_318 : vector<16xf32>
    %get3A_320 = arith.constant 32 : index
    %get3A_321 = tpu.vector_load %arg8[%get3A_320] {strides = array<i32>} : memref<128xi32, #tpu.memory_space<vmem>>, vector<16xi32>,
    %get3A_322 = vector.shape_cast %get3A_321 : vector<16xi32> to vector<16xi32>
    %get3A_323 = arith.constant 32 : index
    %get3A_324 = tpu.vector_load %arg11[%get3A_323] {strides = array<i32>} : memref<128xf32, #tpu.memory_space<vmem>>, vector<16xf32>,
    %get3A_325 = vector.shape_cast %get3A_324 : vector<16xf32> to vector<16xf32>
    %sub3A_326 = arith.constant 1.000000e+00 : f32
    %sub3A_327 = vector.broadcast %sub3A_326 : f32 to vector<16xf32>
    %sub3A_328 = arith.subf %sub3A_327, %get3A_325 : vector<16xf32>
    %abs3A_329 = math.absf %sub3A_328 : vector<16xf32>
    %get3A_330 = arith.constant 32 : index
    %get3A_331 = tpu.vector_load %arg12[%get3A_330] {strides = array<i32>} : memref<128xf32, #tpu.memory_space<vmem>>, vector<16xf32>,
    %get3A_332 = vector.shape_cast %get3A_331 : vector<16xf32> to vector<16xf32>
    %sub3A_333 = arith.constant 1.000000e+00 : f32
    %sub3A_334 = vector.broadcast %sub3A_333 : f32 to vector<16xf32>
    %sub3A_335 = arith.subf %sub3A_334, %get3A_332 : vector<16xf32>
    %abs3A_336 = math.absf %sub3A_335 : vector<16xf32>
    %eq3A_337 = arith.constant 0 : i32
    %eq3A_338 = vector.broadcast %eq3A_337 : i32 to vector<16xi32>
    %eq3A_339 = arith.cmpi eq, %get3A_322, %eq3A_338 : vector<16xi32>
    %select_n3A_340 = arith.select %eq3A_339, %abs3A_329, %broadcast_in_dim3A_215 : vector<16xi1>, vector<16xf32>
    %add3A_341 = arith.addf %add3A_288, %select_n3A_340 : vector<16xf32>
    %select_n3A_342 = arith.select %eq3A_339, %abs3A_336, %broadcast_in_dim3A_215 : vector<16xi1>, vector<16xf32>
    %add3A_343 = arith.addf %add3A_290, %select_n3A_342 : vector<16xf32>
    %select_n3A_344 = arith.select %eq3A_339, %broadcast_in_dim3A_217, %broadcast_in_dim3A_215 : vector<16xi1>, vector<16xf32>
    %add3A_345 = arith.addf %add3A_292, %select_n3A_344 : vector<16xf32>
    %eq3A_346 = arith.constant 1 : i32
    %eq3A_347 = vector.broadcast %eq3A_346 : i32 to vector<16xi32>
    %eq3A_348 = arith.cmpi eq, %get3A_322, %eq3A_347 : vector<16xi32>
    %select_n3A_349 = arith.select %eq3A_348, %abs3A_329, %broadcast_in_dim3A_215 : vector<16xi1>, vector<16xf32>
    %add3A_350 = arith.addf %add3A_297, %select_n3A_349 : vector<16xf32>
    %select_n3A_351 = arith.select %eq3A_348, %abs3A_336, %broadcast_in_dim3A_215 : vector<16xi1>, vector<16xf32>
    %add3A_352 = arith.addf %add3A_299, %select_n3A_351 : vector<16xf32>
    %select_n3A_353 = arith.select %eq3A_348, %broadcast_in_dim3A_217, %broadcast_in_dim3A_215 : vector<16xi1>, vector<16xf32>
    %add3A_354 = arith.addf %add3A_301, %select_n3A_353 : vector<16xf32>
    %eq3A_355 = arith.constant 2 : i32
    %eq3A_356 = vector.broadcast %eq3A_355 : i32 to vector<16xi32>
    %eq3A_357 = arith.cmpi eq, %get3A_322, %eq3A_356 : vector<16xi32>
    %select_n3A_358 = arith.select %eq3A_357, %abs3A_329, %broadcast_in_dim3A_215 : vector<16xi1>, vector<16xf32>
    %add3A_359 = arith.addf %add3A_306, %select_n3A_358 : vector<16xf32>
    %select_n3A_360 = arith.select %eq3A_357, %abs3A_336, %broadcast_in_dim3A_215 : vector<16xi1>, vector<16xf32>
    %add3A_361 = arith.addf %add3A_308, %select_n3A_360 : vector<16xf32>
    %select_n3A_362 = arith.select %eq3A_357, %broadcast_in_dim3A_217, %broadcast_in_dim3A_215 : vector<16xi1>, vector<16xf32>
    %add3A_363 = arith.addf %add3A_310, %select_n3A_362 : vector<16xf32>
    %eq3A_364 = arith.constant 3 : i32
    %eq3A_365 = vector.broadcast %eq3A_364 : i32 to vector<16xi32>
    %eq3A_366 = arith.cmpi eq, %get3A_322, %eq3A_365 : vector<16xi32>
    %select_n3A_367 = arith.select %eq3A_366, %abs3A_329, %broadcast_in_dim3A_215 : vector<16xi1>, vector<16xf32>
    %add3A_368 = arith.addf %add3A_315, %select_n3A_367 : vector<16xf32>
    %select_n3A_369 = arith.select %eq3A_366, %abs3A_336, %broadcast_in_dim3A_215 : vector<16xi1>, vector<16xf32>
    %add3A_370 = arith.addf %add3A_317, %select_n3A_369 : vector<16xf32>
    %select_n3A_371 = arith.select %eq3A_366, %broadcast_in_dim3A_217, %broadcast_in_dim3A_215 : vector<16xi1>, vector<16xf32>
    %add3A_372 = arith.addf %add3A_319, %select_n3A_371 : vector<16xf32>
    %get3A_373 = arith.constant 48 : index
    %get3A_374 = tpu.vector_load %arg8[%get3A_373] {strides = array<i32>} : memref<128xi32, #tpu.memory_space<vmem>>, vector<16xi32>,
    %get3A_375 = vector.shape_cast %get3A_374 : vector<16xi32> to vector<16xi32>
    %get3A_376 = arith.constant 48 : index
    %get3A_377 = tpu.vector_load %arg11[%get3A_376] {strides = array<i32>} : memref<128xf32, #tpu.memory_space<vmem>>, vector<16xf32>,
    %get3A_378 = vector.shape_cast %get3A_377 : vector<16xf32> to vector<16xf32>
    %sub3A_379 = arith.constant 1.000000e+00 : f32
    %sub3A_380 = vector.broadcast %sub3A_379 : f32 to vector<16xf32>
    %sub3A_381 = arith.subf %sub3A_380, %get3A_378 : vector<16xf32>
    %abs3A_382 = math.absf %sub3A_381 : vector<16xf32>
    %get3A_383 = arith.constant 48 : index
    %get3A_384 = tpu.vector_load %arg12[%get3A_383] {strides = array<i32>} : memref<128xf32, #tpu.memory_space<vmem>>, vector<16xf32>,
    %get3A_385 = vector.shape_cast %get3A_384 : vector<16xf32> to vector<16xf32>
    %sub3A_386 = arith.constant 1.000000e+00 : f32
    %sub3A_387 = vector.broadcast %sub3A_386 : f32 to vector<16xf32>
    %sub3A_388 = arith.subf %sub3A_387, %get3A_385 : vector<16xf32>
    %abs3A_389 = math.absf %sub3A_388 : vector<16xf32>
    %eq3A_390 = arith.constant 0 : i32
    %eq3A_391 = vector.broadcast %eq3A_390 : i32 to vector<16xi32>
    %eq3A_392 = arith.cmpi eq, %get3A_375, %eq3A_391 : vector<16xi32>
    %select_n3A_393 = arith.select %eq3A_392, %abs3A_382, %broadcast_in_dim3A_215 : vector<16xi1>, vector<16xf32>
    %add3A_394 = arith.addf %add3A_341, %select_n3A_393 : vector<16xf32>
    %select_n3A_395 = arith.select %eq3A_392, %abs3A_389, %broadcast_in_dim3A_215 : vector<16xi1>, vector<16xf32>
    %add3A_396 = arith.addf %add3A_343, %select_n3A_395 : vector<16xf32>
    %select_n3A_397 = arith.select %eq3A_392, %broadcast_in_dim3A_217, %broadcast_in_dim3A_215 : vector<16xi1>, vector<16xf32>
    %add3A_398 = arith.addf %add3A_345, %select_n3A_397 : vector<16xf32>
    %eq3A_399 = arith.constant 1 : i32
    %eq3A_400 = vector.broadcast %eq3A_399 : i32 to vector<16xi32>
    %eq3A_401 = arith.cmpi eq, %get3A_375, %eq3A_400 : vector<16xi32>
    %select_n3A_402 = arith.select %eq3A_401, %abs3A_382, %broadcast_in_dim3A_215 : vector<16xi1>, vector<16xf32>
    %add3A_403 = arith.addf %add3A_350, %select_n3A_402 : vector<16xf32>
    %select_n3A_404 = arith.select %eq3A_401, %abs3A_389, %broadcast_in_dim3A_215 : vector<16xi1>, vector<16xf32>
    %add3A_405 = arith.addf %add3A_352, %select_n3A_404 : vector<16xf32>
    %select_n3A_406 = arith.select %eq3A_401, %broadcast_in_dim3A_217, %broadcast_in_dim3A_215 : vector<16xi1>, vector<16xf32>
    %add3A_407 = arith.addf %add3A_354, %select_n3A_406 : vector<16xf32>
    %eq3A_408 = arith.constant 2 : i32
    %eq3A_409 = vector.broadcast %eq3A_408 : i32 to vector<16xi32>
    %eq3A_410 = arith.cmpi eq, %get3A_375, %eq3A_409 : vector<16xi32>
    %select_n3A_411 = arith.select %eq3A_410, %abs3A_382, %broadcast_in_dim3A_215 : vector<16xi1>, vector<16xf32>
    %add3A_412 = arith.addf %add3A_359, %select_n3A_411 : vector<16xf32>
    %select_n3A_413 = arith.select %eq3A_410, %abs3A_389, %broadcast_in_dim3A_215 : vector<16xi1>, vector<16xf32>
    %add3A_414 = arith.addf %add3A_361, %select_n3A_413 : vector<16xf32>
    %select_n3A_415 = arith.select %eq3A_410, %broadcast_in_dim3A_217, %broadcast_in_dim3A_215 : vector<16xi1>, vector<16xf32>
    %add3A_416 = arith.addf %add3A_363, %select_n3A_415 : vector<16xf32>
    %eq3A_417 = arith.constant 3 : i32
    %eq3A_418 = vector.broadcast %eq3A_417 : i32 to vector<16xi32>
    %eq3A_419 = arith.cmpi eq, %get3A_375, %eq3A_418 : vector<16xi32>
    %select_n3A_420 = arith.select %eq3A_419, %abs3A_382, %broadcast_in_dim3A_215 : vector<16xi1>, vector<16xf32>
    %add3A_421 = arith.addf %add3A_368, %select_n3A_420 : vector<16xf32>
    %select_n3A_422 = arith.select %eq3A_419, %abs3A_389, %broadcast_in_dim3A_215 : vector<16xi1>, vector<16xf32>
    %add3A_423 = arith.addf %add3A_370, %select_n3A_422 : vector<16xf32>
    %select_n3A_424 = arith.select %eq3A_419, %broadcast_in_dim3A_217, %broadcast_in_dim3A_215 : vector<16xi1>, vector<16xf32>
    %add3A_425 = arith.addf %add3A_372, %select_n3A_424 : vector<16xf32>
    %get3A_426 = arith.constant 64 : index
    %get3A_427 = tpu.vector_load %arg8[%get3A_426] {strides = array<i32>} : memref<128xi32, #tpu.memory_space<vmem>>, vector<16xi32>,
    %get3A_428 = vector.shape_cast %get3A_427 : vector<16xi32> to vector<16xi32>
    %get3A_429 = arith.constant 64 : index
    %get3A_430 = tpu.vector_load %arg11[%get3A_429] {strides = array<i32>} : memref<128xf32, #tpu.memory_space<vmem>>, vector<16xf32>,
    %get3A_431 = vector.shape_cast %get3A_430 : vector<16xf32> to vector<16xf32>
    %sub3A_432 = arith.constant 1.000000e+00 : f32
    %sub3A_433 = vector.broadcast %sub3A_432 : f32 to vector<16xf32>
    %sub3A_434 = arith.subf %sub3A_433, %get3A_431 : vector<16xf32>
    %abs3A_435 = math.absf %sub3A_434 : vector<16xf32>
    %get3A_436 = arith.constant 64 : index
    %get3A_437 = tpu.vector_load %arg12[%get3A_436] {strides = array<i32>} : memref<128xf32, #tpu.memory_space<vmem>>, vector<16xf32>,
    %get3A_438 = vector.shape_cast %get3A_437 : vector<16xf32> to vector<16xf32>
    %sub3A_439 = arith.constant 1.000000e+00 : f32
    %sub3A_440 = vector.broadcast %sub3A_439 : f32 to vector<16xf32>
    %sub3A_441 = arith.subf %sub3A_440, %get3A_438 : vector<16xf32>
    %abs3A_442 = math.absf %sub3A_441 : vector<16xf32>
    %eq3A_443 = arith.constant 0 : i32
    %eq3A_444 = vector.broadcast %eq3A_443 : i32 to vector<16xi32>
    %eq3A_445 = arith.cmpi eq, %get3A_428, %eq3A_444 : vector<16xi32>
    %select_n3A_446 = arith.select %eq3A_445, %abs3A_435, %broadcast_in_dim3A_215 : vector<16xi1>, vector<16xf32>
    %add3A_447 = arith.addf %add3A_394, %select_n3A_446 : vector<16xf32>
    %select_n3A_448 = arith.select %eq3A_445, %abs3A_442, %broadcast_in_dim3A_215 : vector<16xi1>, vector<16xf32>
    %add3A_449 = arith.addf %add3A_396, %select_n3A_448 : vector<16xf32>
    %select_n3A_450 = arith.select %eq3A_445, %broadcast_in_dim3A_217, %broadcast_in_dim3A_215 : vector<16xi1>, vector<16xf32>
    %add3A_451 = arith.addf %add3A_398, %select_n3A_450 : vector<16xf32>
    %eq3A_452 = arith.constant 1 : i32
    %eq3A_453 = vector.broadcast %eq3A_452 : i32 to vector<16xi32>
    %eq3A_454 = arith.cmpi eq, %get3A_428, %eq3A_453 : vector<16xi32>
    %select_n3A_455 = arith.select %eq3A_454, %abs3A_435, %broadcast_in_dim3A_215 : vector<16xi1>, vector<16xf32>
    %add3A_456 = arith.addf %add3A_403, %select_n3A_455 : vector<16xf32>
    %select_n3A_457 = arith.select %eq3A_454, %abs3A_442, %broadcast_in_dim3A_215 : vector<16xi1>, vector<16xf32>
    %add3A_458 = arith.addf %add3A_405, %select_n3A_457 : vector<16xf32>
    %select_n3A_459 = arith.select %eq3A_454, %broadcast_in_dim3A_217, %broadcast_in_dim3A_215 : vector<16xi1>, vector<16xf32>
    %add3A_460 = arith.addf %add3A_407, %select_n3A_459 : vector<16xf32>
    %eq3A_461 = arith.constant 2 : i32
    %eq3A_462 = vector.broadcast %eq3A_461 : i32 to vector<16xi32>
    %eq3A_463 = arith.cmpi eq, %get3A_428, %eq3A_462 : vector<16xi32>
    %select_n3A_464 = arith.select %eq3A_463, %abs3A_435, %broadcast_in_dim3A_215 : vector<16xi1>, vector<16xf32>
    %add3A_465 = arith.addf %add3A_412, %select_n3A_464 : vector<16xf32>
    %select_n3A_466 = arith.select %eq3A_463, %abs3A_442, %broadcast_in_dim3A_215 : vector<16xi1>, vector<16xf32>
    %add3A_467 = arith.addf %add3A_414, %select_n3A_466 : vector<16xf32>
    %select_n3A_468 = arith.select %eq3A_463, %broadcast_in_dim3A_217, %broadcast_in_dim3A_215 : vector<16xi1>, vector<16xf32>
    %add3A_469 = arith.addf %add3A_416, %select_n3A_468 : vector<16xf32>
    %eq3A_470 = arith.constant 3 : i32
    %eq3A_471 = vector.broadcast %eq3A_470 : i32 to vector<16xi32>
    %eq3A_472 = arith.cmpi eq, %get3A_428, %eq3A_471 : vector<16xi32>
    %select_n3A_473 = arith.select %eq3A_472, %abs3A_435, %broadcast_in_dim3A_215 : vector<16xi1>, vector<16xf32>
    %add3A_474 = arith.addf %add3A_421, %select_n3A_473 : vector<16xf32>
    %select_n3A_475 = arith.select %eq3A_472, %abs3A_442, %broadcast_in_dim3A_215 : vector<16xi1>, vector<16xf32>
    %add3A_476 = arith.addf %add3A_423, %select_n3A_475 : vector<16xf32>
    %select_n3A_477 = arith.select %eq3A_472, %broadcast_in_dim3A_217, %broadcast_in_dim3A_215 : vector<16xi1>, vector<16xf32>
    %add3A_478 = arith.addf %add3A_425, %select_n3A_477 : vector<16xf32>
    %get3A_479 = arith.constant 80 : index
    %get3A_480 = tpu.vector_load %arg8[%get3A_479] {strides = array<i32>} : memref<128xi32, #tpu.memory_space<vmem>>, vector<16xi32>,
    %get3A_481 = vector.shape_cast %get3A_480 : vector<16xi32> to vector<16xi32>
    %get3A_482 = arith.constant 80 : index
    %get3A_483 = tpu.vector_load %arg11[%get3A_482] {strides = array<i32>} : memref<128xf32, #tpu.memory_space<vmem>>, vector<16xf32>,
    %get3A_484 = vector.shape_cast %get3A_483 : vector<16xf32> to vector<16xf32>
    %sub3A_485 = arith.constant 1.000000e+00 : f32
    %sub3A_486 = vector.broadcast %sub3A_485 : f32 to vector<16xf32>
    %sub3A_487 = arith.subf %sub3A_486, %get3A_484 : vector<16xf32>
    %abs3A_488 = math.absf %sub3A_487 : vector<16xf32>
    %get3A_489 = arith.constant 80 : index
    %get3A_490 = tpu.vector_load %arg12[%get3A_489] {strides = array<i32>} : memref<128xf32, #tpu.memory_space<vmem>>, vector<16xf32>,
    %get3A_491 = vector.shape_cast %get3A_490 : vector<16xf32> to vector<16xf32>
    %sub3A_492 = arith.constant 1.000000e+00 : f32
    %sub3A_493 = vector.broadcast %sub3A_492 : f32 to vector<16xf32>
    %sub3A_494 = arith.subf %sub3A_493, %get3A_491 : vector<16xf32>
    %abs3A_495 = math.absf %sub3A_494 : vector<16xf32>
    %eq3A_496 = arith.constant 0 : i32
    %eq3A_497 = vector.broadcast %eq3A_496 : i32 to vector<16xi32>
    %eq3A_498 = arith.cmpi eq, %get3A_481, %eq3A_497 : vector<16xi32>
    %select_n3A_499 = arith.select %eq3A_498, %abs3A_488, %broadcast_in_dim3A_215 : vector<16xi1>, vector<16xf32>
    %add3A_500 = arith.addf %add3A_447, %select_n3A_499 : vector<16xf32>
    %select_n3A_501 = arith.select %eq3A_498, %abs3A_495, %broadcast_in_dim3A_215 : vector<16xi1>, vector<16xf32>
    %add3A_502 = arith.addf %add3A_449, %select_n3A_501 : vector<16xf32>
    %select_n3A_503 = arith.select %eq3A_498, %broadcast_in_dim3A_217, %broadcast_in_dim3A_215 : vector<16xi1>, vector<16xf32>
    %add3A_504 = arith.addf %add3A_451, %select_n3A_503 : vector<16xf32>
    %eq3A_505 = arith.constant 1 : i32
    %eq3A_506 = vector.broadcast %eq3A_505 : i32 to vector<16xi32>
    %eq3A_507 = arith.cmpi eq, %get3A_481, %eq3A_506 : vector<16xi32>
    %select_n3A_508 = arith.select %eq3A_507, %abs3A_488, %broadcast_in_dim3A_215 : vector<16xi1>, vector<16xf32>
    %add3A_509 = arith.addf %add3A_456, %select_n3A_508 : vector<16xf32>
    %select_n3A_510 = arith.select %eq3A_507, %abs3A_495, %broadcast_in_dim3A_215 : vector<16xi1>, vector<16xf32>
    %add3A_511 = arith.addf %add3A_458, %select_n3A_510 : vector<16xf32>
    %select_n3A_512 = arith.select %eq3A_507, %broadcast_in_dim3A_217, %broadcast_in_dim3A_215 : vector<16xi1>, vector<16xf32>
    %add3A_513 = arith.addf %add3A_460, %select_n3A_512 : vector<16xf32>
    %eq3A_514 = arith.constant 2 : i32
    %eq3A_515 = vector.broadcast %eq3A_514 : i32 to vector<16xi32>
    %eq3A_516 = arith.cmpi eq, %get3A_481, %eq3A_515 : vector<16xi32>
    %select_n3A_517 = arith.select %eq3A_516, %abs3A_488, %broadcast_in_dim3A_215 : vector<16xi1>, vector<16xf32>
    %add3A_518 = arith.addf %add3A_465, %select_n3A_517 : vector<16xf32>
    %select_n3A_519 = arith.select %eq3A_516, %abs3A_495, %broadcast_in_dim3A_215 : vector<16xi1>, vector<16xf32>
    %add3A_520 = arith.addf %add3A_467, %select_n3A_519 : vector<16xf32>
    %select_n3A_521 = arith.select %eq3A_516, %broadcast_in_dim3A_217, %broadcast_in_dim3A_215 : vector<16xi1>, vector<16xf32>
    %add3A_522 = arith.addf %add3A_469, %select_n3A_521 : vector<16xf32>
    %eq3A_523 = arith.constant 3 : i32
    %eq3A_524 = vector.broadcast %eq3A_523 : i32 to vector<16xi32>
    %eq3A_525 = arith.cmpi eq, %get3A_481, %eq3A_524 : vector<16xi32>
    %select_n3A_526 = arith.select %eq3A_525, %abs3A_488, %broadcast_in_dim3A_215 : vector<16xi1>, vector<16xf32>
    %add3A_527 = arith.addf %add3A_474, %select_n3A_526 : vector<16xf32>
    %select_n3A_528 = arith.select %eq3A_525, %abs3A_495, %broadcast_in_dim3A_215 : vector<16xi1>, vector<16xf32>
    %add3A_529 = arith.addf %add3A_476, %select_n3A_528 : vector<16xf32>
    %select_n3A_530 = arith.select %eq3A_525, %broadcast_in_dim3A_217, %broadcast_in_dim3A_215 : vector<16xi1>, vector<16xf32>
    %add3A_531 = arith.addf %add3A_478, %select_n3A_530 : vector<16xf32>
    %get3A_532 = arith.constant 96 : index
    %get3A_533 = tpu.vector_load %arg8[%get3A_532] {strides = array<i32>} : memref<128xi32, #tpu.memory_space<vmem>>, vector<16xi32>,
    %get3A_534 = vector.shape_cast %get3A_533 : vector<16xi32> to vector<16xi32>
    %get3A_535 = arith.constant 96 : index
    %get3A_536 = tpu.vector_load %arg11[%get3A_535] {strides = array<i32>} : memref<128xf32, #tpu.memory_space<vmem>>, vector<16xf32>,
    %get3A_537 = vector.shape_cast %get3A_536 : vector<16xf32> to vector<16xf32>
    %sub3A_538 = arith.constant 1.000000e+00 : f32
    %sub3A_539 = vector.broadcast %sub3A_538 : f32 to vector<16xf32>
    %sub3A_540 = arith.subf %sub3A_539, %get3A_537 : vector<16xf32>
    %abs3A_541 = math.absf %sub3A_540 : vector<16xf32>
    %get3A_542 = arith.constant 96 : index
    %get3A_543 = tpu.vector_load %arg12[%get3A_542] {strides = array<i32>} : memref<128xf32, #tpu.memory_space<vmem>>, vector<16xf32>,
    %get3A_544 = vector.shape_cast %get3A_543 : vector<16xf32> to vector<16xf32>
    %sub3A_545 = arith.constant 1.000000e+00 : f32
    %sub3A_546 = vector.broadcast %sub3A_545 : f32 to vector<16xf32>
    %sub3A_547 = arith.subf %sub3A_546, %get3A_544 : vector<16xf32>
    %abs3A_548 = math.absf %sub3A_547 : vector<16xf32>
    %eq3A_549 = arith.constant 0 : i32
    %eq3A_550 = vector.broadcast %eq3A_549 : i32 to vector<16xi32>
    %eq3A_551 = arith.cmpi eq, %get3A_534, %eq3A_550 : vector<16xi32>
    %select_n3A_552 = arith.select %eq3A_551, %abs3A_541, %broadcast_in_dim3A_215 : vector<16xi1>, vector<16xf32>
    %add3A_553 = arith.addf %add3A_500, %select_n3A_552 : vector<16xf32>
    %select_n3A_554 = arith.select %eq3A_551, %abs3A_548, %broadcast_in_dim3A_215 : vector<16xi1>, vector<16xf32>
    %add3A_555 = arith.addf %add3A_502, %select_n3A_554 : vector<16xf32>
    %select_n3A_556 = arith.select %eq3A_551, %broadcast_in_dim3A_217, %broadcast_in_dim3A_215 : vector<16xi1>, vector<16xf32>
    %add3A_557 = arith.addf %add3A_504, %select_n3A_556 : vector<16xf32>
    %eq3A_558 = arith.constant 1 : i32
    %eq3A_559 = vector.broadcast %eq3A_558 : i32 to vector<16xi32>
    %eq3A_560 = arith.cmpi eq, %get3A_534, %eq3A_559 : vector<16xi32>
    %select_n3A_561 = arith.select %eq3A_560, %abs3A_541, %broadcast_in_dim3A_215 : vector<16xi1>, vector<16xf32>
    %add3A_562 = arith.addf %add3A_509, %select_n3A_561 : vector<16xf32>
    %select_n3A_563 = arith.select %eq3A_560, %abs3A_548, %broadcast_in_dim3A_215 : vector<16xi1>, vector<16xf32>
    %add3A_564 = arith.addf %add3A_511, %select_n3A_563 : vector<16xf32>
    %select_n3A_565 = arith.select %eq3A_560, %broadcast_in_dim3A_217, %broadcast_in_dim3A_215 : vector<16xi1>, vector<16xf32>
    %add3A_566 = arith.addf %add3A_513, %select_n3A_565 : vector<16xf32>
    %eq3A_567 = arith.constant 2 : i32
    %eq3A_568 = vector.broadcast %eq3A_567 : i32 to vector<16xi32>
    %eq3A_569 = arith.cmpi eq, %get3A_534, %eq3A_568 : vector<16xi32>
    %select_n3A_570 = arith.select %eq3A_569, %abs3A_541, %broadcast_in_dim3A_215 : vector<16xi1>, vector<16xf32>
    %add3A_571 = arith.addf %add3A_518, %select_n3A_570 : vector<16xf32>
    %select_n3A_572 = arith.select %eq3A_569, %abs3A_548, %broadcast_in_dim3A_215 : vector<16xi1>, vector<16xf32>
    %add3A_573 = arith.addf %add3A_520, %select_n3A_572 : vector<16xf32>
    %select_n3A_574 = arith.select %eq3A_569, %broadcast_in_dim3A_217, %broadcast_in_dim3A_215 : vector<16xi1>, vector<16xf32>
    %add3A_575 = arith.addf %add3A_522, %select_n3A_574 : vector<16xf32>
    %eq3A_576 = arith.constant 3 : i32
    %eq3A_577 = vector.broadcast %eq3A_576 : i32 to vector<16xi32>
    %eq3A_578 = arith.cmpi eq, %get3A_534, %eq3A_577 : vector<16xi32>
    %select_n3A_579 = arith.select %eq3A_578, %abs3A_541, %broadcast_in_dim3A_215 : vector<16xi1>, vector<16xf32>
    %add3A_580 = arith.addf %add3A_527, %select_n3A_579 : vector<16xf32>
    %select_n3A_581 = arith.select %eq3A_578, %abs3A_548, %broadcast_in_dim3A_215 : vector<16xi1>, vector<16xf32>
    %add3A_582 = arith.addf %add3A_529, %select_n3A_581 : vector<16xf32>
    %select_n3A_583 = arith.select %eq3A_578, %broadcast_in_dim3A_217, %broadcast_in_dim3A_215 : vector<16xi1>, vector<16xf32>
    %add3A_584 = arith.addf %add3A_531, %select_n3A_583 : vector<16xf32>
    %get3A_585 = arith.constant 112 : index
    %get3A_586 = tpu.vector_load %arg8[%get3A_585] {strides = array<i32>} : memref<128xi32, #tpu.memory_space<vmem>>, vector<16xi32>,
    %get3A_587 = vector.shape_cast %get3A_586 : vector<16xi32> to vector<16xi32>
    %get3A_588 = arith.constant 112 : index
    %get3A_589 = tpu.vector_load %arg11[%get3A_588] {strides = array<i32>} : memref<128xf32, #tpu.memory_space<vmem>>, vector<16xf32>,
    %get3A_590 = vector.shape_cast %get3A_589 : vector<16xf32> to vector<16xf32>
    %sub3A_591 = arith.constant 1.000000e+00 : f32
    %sub3A_592 = vector.broadcast %sub3A_591 : f32 to vector<16xf32>
    %sub3A_593 = arith.subf %sub3A_592, %get3A_590 : vector<16xf32>
    %abs3A_594 = math.absf %sub3A_593 : vector<16xf32>
    %get3A_595 = arith.constant 112 : index
    %get3A_596 = tpu.vector_load %arg12[%get3A_595] {strides = array<i32>} : memref<128xf32, #tpu.memory_space<vmem>>, vector<16xf32>,
    %get3A_597 = vector.shape_cast %get3A_596 : vector<16xf32> to vector<16xf32>
    %sub3A_598 = arith.constant 1.000000e+00 : f32
    %sub3A_599 = vector.broadcast %sub3A_598 : f32 to vector<16xf32>
    %sub3A_600 = arith.subf %sub3A_599, %get3A_597 : vector<16xf32>
    %abs3A_601 = math.absf %sub3A_600 : vector<16xf32>
    %eq3A_602 = arith.constant 0 : i32
    %eq3A_603 = vector.broadcast %eq3A_602 : i32 to vector<16xi32>
    %eq3A_604 = arith.cmpi eq, %get3A_587, %eq3A_603 : vector<16xi32>
    %select_n3A_605 = arith.select %eq3A_604, %abs3A_594, %broadcast_in_dim3A_215 : vector<16xi1>, vector<16xf32>
    %add3A_606 = arith.addf %add3A_553, %select_n3A_605 : vector<16xf32>
    %select_n3A_607 = arith.select %eq3A_604, %abs3A_601, %broadcast_in_dim3A_215 : vector<16xi1>, vector<16xf32>
    %add3A_608 = arith.addf %add3A_555, %select_n3A_607 : vector<16xf32>
    %select_n3A_609 = arith.select %eq3A_604, %broadcast_in_dim3A_217, %broadcast_in_dim3A_215 : vector<16xi1>, vector<16xf32>
    %add3A_610 = arith.addf %add3A_557, %select_n3A_609 : vector<16xf32>
    %eq3A_611 = arith.constant 1 : i32
    %eq3A_612 = vector.broadcast %eq3A_611 : i32 to vector<16xi32>
    %eq3A_613 = arith.cmpi eq, %get3A_587, %eq3A_612 : vector<16xi32>
    %select_n3A_614 = arith.select %eq3A_613, %abs3A_594, %broadcast_in_dim3A_215 : vector<16xi1>, vector<16xf32>
    %add3A_615 = arith.addf %add3A_562, %select_n3A_614 : vector<16xf32>
    %select_n3A_616 = arith.select %eq3A_613, %abs3A_601, %broadcast_in_dim3A_215 : vector<16xi1>, vector<16xf32>
    %add3A_617 = arith.addf %add3A_564, %select_n3A_616 : vector<16xf32>
    %select_n3A_618 = arith.select %eq3A_613, %broadcast_in_dim3A_217, %broadcast_in_dim3A_215 : vector<16xi1>, vector<16xf32>
    %add3A_619 = arith.addf %add3A_566, %select_n3A_618 : vector<16xf32>
    %eq3A_620 = arith.constant 2 : i32
    %eq3A_621 = vector.broadcast %eq3A_620 : i32 to vector<16xi32>
    %eq3A_622 = arith.cmpi eq, %get3A_587, %eq3A_621 : vector<16xi32>
    %select_n3A_623 = arith.select %eq3A_622, %abs3A_594, %broadcast_in_dim3A_215 : vector<16xi1>, vector<16xf32>
    %add3A_624 = arith.addf %add3A_571, %select_n3A_623 : vector<16xf32>
    %select_n3A_625 = arith.select %eq3A_622, %abs3A_601, %broadcast_in_dim3A_215 : vector<16xi1>, vector<16xf32>
    %add3A_626 = arith.addf %add3A_573, %select_n3A_625 : vector<16xf32>
    %select_n3A_627 = arith.select %eq3A_622, %broadcast_in_dim3A_217, %broadcast_in_dim3A_215 : vector<16xi1>, vector<16xf32>
    %add3A_628 = arith.addf %add3A_575, %select_n3A_627 : vector<16xf32>
    %eq3A_629 = arith.constant 3 : i32
    %eq3A_630 = vector.broadcast %eq3A_629 : i32 to vector<16xi32>
    %eq3A_631 = arith.cmpi eq, %get3A_587, %eq3A_630 : vector<16xi32>
    %select_n3A_632 = arith.select %eq3A_631, %abs3A_594, %broadcast_in_dim3A_215 : vector<16xi1>, vector<16xf32>
    %add3A_633 = arith.addf %add3A_580, %select_n3A_632 : vector<16xf32>
    %select_n3A_634 = arith.select %eq3A_631, %abs3A_601, %broadcast_in_dim3A_215 : vector<16xi1>, vector<16xf32>
    %add3A_635 = arith.addf %add3A_582, %select_n3A_634 : vector<16xf32>
    %select_n3A_636 = arith.select %eq3A_631, %broadcast_in_dim3A_217, %broadcast_in_dim3A_215 : vector<16xi1>, vector<16xf32>
    %add3A_637 = arith.addf %add3A_584, %select_n3A_636 : vector<16xf32>
    %swap3A_638 = arith.constant 0 : index
    %swap3A_639 = tpu.vector_load %arg13[%swap3A_638] {strides = array<i32>} : memref<192xf32, #tpu.memory_space<vmem>>, vector<16xf32>,
    %swap3A_640 = vector.shape_cast %swap3A_639 : vector<16xf32> to vector<16xf32>
    %swap3A_641 = vector.shape_cast %add3A_606 : vector<16xf32> to vector<16xf32>
    tpu.vector_store %arg13[%swap3A_638], %swap3A_641 {strides = array<i32>} : memref<192xf32, #tpu.memory_space<vmem>>, vector<16xf32>,
    %swap3A_642 = arith.constant 16 : index
    %swap3A_643 = tpu.vector_load %arg13[%swap3A_642] {strides = array<i32>} : memref<192xf32, #tpu.memory_space<vmem>>, vector<16xf32>,
    %swap3A_644 = vector.shape_cast %swap3A_643 : vector<16xf32> to vector<16xf32>
    %swap3A_645 = vector.shape_cast %add3A_615 : vector<16xf32> to vector<16xf32>
    tpu.vector_store %arg13[%swap3A_642], %swap3A_645 {strides = array<i32>} : memref<192xf32, #tpu.memory_space<vmem>>, vector<16xf32>,
    %swap3A_646 = arith.constant 32 : index
    %swap3A_647 = tpu.vector_load %arg13[%swap3A_646] {strides = array<i32>} : memref<192xf32, #tpu.memory_space<vmem>>, vector<16xf32>,
    %swap3A_648 = vector.shape_cast %swap3A_647 : vector<16xf32> to vector<16xf32>
    %swap3A_649 = vector.shape_cast %add3A_624 : vector<16xf32> to vector<16xf32>
    tpu.vector_store %arg13[%swap3A_646], %swap3A_649 {strides = array<i32>} : memref<192xf32, #tpu.memory_space<vmem>>, vector<16xf32>,
    %swap3A_650 = arith.constant 48 : index
    %swap3A_651 = tpu.vector_load %arg13[%swap3A_650] {strides = array<i32>} : memref<192xf32, #tpu.memory_space<vmem>>, vector<16xf32>,
    %swap3A_652 = vector.shape_cast %swap3A_651 : vector<16xf32> to vector<16xf32>
    %swap3A_653 = vector.shape_cast %add3A_633 : vector<16xf32> to vector<16xf32>
    tpu.vector_store %arg13[%swap3A_650], %swap3A_653 {strides = array<i32>} : memref<192xf32, #tpu.memory_space<vmem>>, vector<16xf32>,
    %swap3A_654 = arith.constant 64 : index
    %swap3A_655 = tpu.vector_load %arg13[%swap3A_654] {strides = array<i32>} : memref<192xf32, #tpu.memory_space<vmem>>, vector<16xf32>,
    %swap3A_656 = vector.shape_cast %swap3A_655 : vector<16xf32> to vector<16xf32>
    %swap3A_657 = vector.shape_cast %add3A_608 : vector<16xf32> to vector<16xf32>
    tpu.vector_store %arg13[%swap3A_654], %swap3A_657 {strides = array<i32>} : memref<192xf32, #tpu.memory_space<vmem>>, vector<16xf32>,
    %swap3A_658 = arith.constant 80 : index
    %swap3A_659 = tpu.vector_load %arg13[%swap3A_658] {strides = array<i32>} : memref<192xf32, #tpu.memory_space<vmem>>, vector<16xf32>,
    %swap3A_660 = vector.shape_cast %swap3A_659 : vector<16xf32> to vector<16xf32>
    %swap3A_661 = vector.shape_cast %add3A_617 : vector<16xf32> to vector<16xf32>
    tpu.vector_store %arg13[%swap3A_658], %swap3A_661 {strides = array<i32>} : memref<192xf32, #tpu.memory_space<vmem>>, vector<16xf32>,
    %swap3A_662 = arith.constant 96 : index
    %swap3A_663 = tpu.vector_load %arg13[%swap3A_662] {strides = array<i32>} : memref<192xf32, #tpu.memory_space<vmem>>, vector<16xf32>,
    %swap3A_664 = vector.shape_cast %swap3A_663 : vector<16xf32> to vector<16xf32>
    %swap3A_665 = vector.shape_cast %add3A_626 : vector<16xf32> to vector<16xf32>
    tpu.vector_store %arg13[%swap3A_662], %swap3A_665 {strides = array<i32>} : memref<192xf32, #tpu.memory_space<vmem>>, vector<16xf32>,
    %swap3A_666 = arith.constant 112 : index
    %swap3A_667 = tpu.vector_load %arg13[%swap3A_666] {strides = array<i32>} : memref<192xf32, #tpu.memory_space<vmem>>, vector<16xf32>,
    %swap3A_668 = vector.shape_cast %swap3A_667 : vector<16xf32> to vector<16xf32>
    %swap3A_669 = vector.shape_cast %add3A_635 : vector<16xf32> to vector<16xf32>
    tpu.vector_store %arg13[%swap3A_666], %swap3A_669 {strides = array<i32>} : memref<192xf32, #tpu.memory_space<vmem>>, vector<16xf32>,
    %swap3A_670 = arith.constant 128 : index
    %swap3A_671 = tpu.vector_load %arg13[%swap3A_670] {strides = array<i32>} : memref<192xf32, #tpu.memory_space<vmem>>, vector<16xf32>,
    %swap3A_672 = vector.shape_cast %swap3A_671 : vector<16xf32> to vector<16xf32>
    %swap3A_673 = vector.shape_cast %add3A_610 : vector<16xf32> to vector<16xf32>
    tpu.vector_store %arg13[%swap3A_670], %swap3A_673 {strides = array<i32>} : memref<192xf32, #tpu.memory_space<vmem>>, vector<16xf32>,
    %swap3A_674 = arith.constant 144 : index
    %swap3A_675 = tpu.vector_load %arg13[%swap3A_674] {strides = array<i32>} : memref<192xf32, #tpu.memory_space<vmem>>, vector<16xf32>,
    %swap3A_676 = vector.shape_cast %swap3A_675 : vector<16xf32> to vector<16xf32>
    %swap3A_677 = vector.shape_cast %add3A_619 : vector<16xf32> to vector<16xf32>
    tpu.vector_store %arg13[%swap3A_674], %swap3A_677 {strides = array<i32>} : memref<192xf32, #tpu.memory_space<vmem>>, vector<16xf32>,
    %swap3A_678 = arith.constant 160 : index
    %swap3A_679 = tpu.vector_load %arg13[%swap3A_678] {strides = array<i32>} : memref<192xf32, #tpu.memory_space<vmem>>, vector<16xf32>,
    %swap3A_680 = vector.shape_cast %swap3A_679 : vector<16xf32> to vector<16xf32>
    %swap3A_681 = vector.shape_cast %add3A_628 : vector<16xf32> to vector<16xf32>
    tpu.vector_store %arg13[%swap3A_678], %swap3A_681 {strides = array<i32>} : memref<192xf32, #tpu.memory_space<vmem>>, vector<16xf32>,
    %swap3A_682 = arith.constant 176 : index
    %swap3A_683 = tpu.vector_load %arg13[%swap3A_682] {strides = array<i32>} : memref<192xf32, #tpu.memory_space<vmem>>, vector<16xf32>,
    %swap3A_684 = vector.shape_cast %swap3A_683 : vector<16xf32> to vector<16xf32>
    %swap3A_685 = vector.shape_cast %add3A_637 : vector<16xf32> to vector<16xf32>
    tpu.vector_store %arg13[%swap3A_682], %swap3A_685 {strides = array<i32>} : memref<192xf32, #tpu.memory_space<vmem>>, vector<16xf32>,
    "tpu.region"() ({
      %run_scoped3A = tpu.sem_alloc : memref<!tpu.dma_semaphore, #tpu.memory_space<semaphore_mem>>
      %dma_start3A_686 = arith.constant 0 : i32
      %dma_start3A_687 = tpu.memref_slice %arg6[%add3A, %dma_start3A_686] : memref<32x192xf32, #tpu.memory_space<hbm>> -> memref<1x192xf32, #tpu.memory_space<hbm>>
      %dma_start3A_688 = tpu.memref_squeeze %dma_start3A_687 : memref<1x192xf32, #tpu.memory_space<hbm>> -> memref<192xf32, #tpu.memory_space<hbm>>
      %dma_start3A_689 = arith.constant 0 : i32
      %dma_start3A_690 = tpu.memref_slice %arg6[%add3A, %dma_start3A_689] : memref<32x192xf32, #tpu.memory_space<hbm>> -> memref<1x192xf32, #tpu.memory_space<hbm>>
      %dma_start3A_691 = tpu.memref_squeeze %dma_start3A_690 : memref<1x192xf32, #tpu.memory_space<hbm>> -> memref<192xf32, #tpu.memory_space<hbm>>
      tpu.enqueue_dma source(%arg13 : memref<192xf32, #tpu.memory_space<vmem>>) target(%dma_start3A_691 : memref<192xf32, #tpu.memory_space<hbm>>) target_semaphore(%run_scoped3A : memref<!tpu.dma_semaphore, #tpu.memory_space<semaphore_mem>>)
      %dma_wait3A_692 = arith.constant 0 : i32
      %dma_wait3A_693 = tpu.memref_slice %arg6[%add3A, %dma_wait3A_692] : memref<32x192xf32, #tpu.memory_space<hbm>> -> memref<1x192xf32, #tpu.memory_space<hbm>>
      %dma_wait3A_694 = tpu.memref_squeeze %dma_wait3A_693 : memref<1x192xf32, #tpu.memory_space<hbm>> -> memref<192xf32, #tpu.memory_space<hbm>>
      %dma_wait3A_695 = arith.constant 0 : i32
      %dma_wait3A_696 = tpu.memref_slice %arg6[%add3A, %dma_wait3A_695] : memref<32x192xf32, #tpu.memory_space<hbm>> -> memref<1x192xf32, #tpu.memory_space<hbm>>
      %dma_wait3A_697 = tpu.memref_squeeze %dma_wait3A_696 : memref<1x192xf32, #tpu.memory_space<hbm>> -> memref<192xf32, #tpu.memory_space<hbm>>
      tpu.wait_dma2 semaphore(%run_scoped3A : memref<!tpu.dma_semaphore, #tpu.memory_space<semaphore_mem>>) src(%arg13 : memref<192xf32, #tpu.memory_space<vmem>>) dst(%dma_wait3A_697 : memref<192xf32, #tpu.memory_space<hbm>>)
      tpu.yield
    }) : () -> ()
    return
  }
}

module attributes {stable_mosaic.version = 14 : i64} {
  func.func @_dense_kernel(%arg0: i32, %arg1: memref<6x512x512xf32, #tpu.memory_space<vmem>>, %arg2: memref<6x512x512xf32, #tpu.memory_space<vmem>>, %arg3: memref<16x512xf32, #tpu.memory_space<vmem>>, %arg4: memref<16x512xf32, #tpu.memory_space<vmem>>, %arg5: memref<2xf32, #tpu.memory_space<smem>>, %arg6: memref<2xf32, #tpu.memory_space<smem>>) attributes {dimension_semantics = [#tpu.dimension_semantics<arbitrary>], iteration_bounds = array<i64: 8>, scalar_prefetch = 0 : i64, scratch_operands = 1 : i64, tpu.core_type = #tpu.core_type<tc>, window_params = [{transform_indices = @transform_0, window_bounds = array<i64: 6, 512, 512>}, {transform_indices = @transform_1, window_bounds = array<i64: 6, 512, 512>}, {transform_indices = @transform_2, window_bounds = array<i64: 16, 512>}, {transform_indices = @transform_3, window_bounds = array<i64: 16, 512>}, {transform_indices = @transform_4, window_bounds = array<i64: 2>}]} {
    %eq3A = arith.constant 0 : i32
    %eq3A_0 = arith.cmpi eq, %arg0, %eq3A : i32
    %convert_element_type3A = arith.extui %eq3A_0 : i1 to i32
    %cond3A = arith.constant 0 : i32
    %cond3A_1 = arith.cmpi ne, %convert_element_type3A, %cond3A : i32
    scf.if %cond3A_1 {
      %swap3A_39 = arith.constant 0.000000e+00 : f32
      %swap3A_40 = arith.constant 0 : index
      %swap3A_41 = memref.load %arg6[%swap3A_40] : memref<2xf32, #tpu.memory_space<smem>>
      memref.store %swap3A_39, %arg6[%swap3A_40] : memref<2xf32, #tpu.memory_space<smem>>
      %swap3A_42 = arith.constant 0.000000e+00 : f32
      %swap3A_43 = arith.constant 1 : index
      %swap3A_44 = memref.load %arg6[%swap3A_43] : memref<2xf32, #tpu.memory_space<smem>>
      memref.store %swap3A_42, %arg6[%swap3A_43] : memref<2xf32, #tpu.memory_space<smem>>
    } else {
    }
    %get3A = arith.constant 0 : index
    %get3A_2 = memref.load %arg6[%get3A] : memref<2xf32, #tpu.memory_space<smem>>
    %get3A_3 = arith.constant 0 : index
    %get3A_4 = arith.constant 0 : index
    %get3A_5 = arith.constant 0 : index
    %get3A_6 = vector.load %arg1[%get3A_3, %get3A_4, %get3A_5] : memref<6x512x512xf32, #tpu.memory_space<vmem>>, vector<6x512x512xf32>
    %get3A_7 = arith.constant 0 : index
    %get3A_8 = arith.constant 0 : index
    %get3A_9 = arith.constant 0 : index
    %get3A_10 = vector.load %arg2[%get3A_7, %get3A_8, %get3A_9] : memref<6x512x512xf32, #tpu.memory_space<vmem>>, vector<6x512x512xf32>
    %sub3A = arith.subf %get3A_6, %get3A_10 : vector<6x512x512xf32>
    %abs3A = math.absf %sub3A : vector<6x512x512xf32>
    %reduce_sum3A = vector.shape_cast %abs3A : vector<6x512x512xf32> to vector<1x6x512x512xf32>
    %reduce_sum3A_11 = arith.constant dense<0.000000e+00> : vector<1xf32>
    %reduce_sum3A_12 = vector.multi_reduction <add>, %reduce_sum3A, %reduce_sum3A_11 [1, 2, 3] : vector<1x6x512x512xf32> to vector<1xf32>
    %reduce_sum3A_13 = vector.shape_cast %reduce_sum3A_12 : vector<1xf32> to vector<1x1x1x1xf32>
    %reduce_sum3A_14 = vector.extract %reduce_sum3A_13[0, 0, 0, 0] : f32 from vector<1x1x1x1xf32>
    %add3A = arith.addf %get3A_2, %reduce_sum3A_14 : f32
    %swap3A = arith.constant 0 : index
    %swap3A_15 = memref.load %arg6[%swap3A] : memref<2xf32, #tpu.memory_space<smem>>
    memref.store %add3A, %arg6[%swap3A] : memref<2xf32, #tpu.memory_space<smem>>
    %get3A_16 = arith.constant 1 : index
    %get3A_17 = memref.load %arg6[%get3A_16] : memref<2xf32, #tpu.memory_space<smem>>
    %get3A_18 = arith.constant 0 : index
    %get3A_19 = arith.constant 0 : index
    %get3A_20 = vector.load %arg3[%get3A_18, %get3A_19] : memref<16x512xf32, #tpu.memory_space<vmem>>, vector<16x512xf32>
    %get3A_21 = arith.constant 0 : index
    %get3A_22 = arith.constant 0 : index
    %get3A_23 = vector.load %arg4[%get3A_21, %get3A_22] : memref<16x512xf32, #tpu.memory_space<vmem>>, vector<16x512xf32>
    %sub3A_24 = arith.subf %get3A_20, %get3A_23 : vector<16x512xf32>
    %abs3A_25 = math.absf %sub3A_24 : vector<16x512xf32>
    %reduce_sum3A_26 = vector.shape_cast %abs3A_25 : vector<16x512xf32> to vector<1x16x512xf32>
    %reduce_sum3A_27 = arith.constant dense<0.000000e+00> : vector<1xf32>
    %reduce_sum3A_28 = vector.multi_reduction <add>, %reduce_sum3A_26, %reduce_sum3A_27 [1, 2] : vector<1x16x512xf32> to vector<1xf32>
    %reduce_sum3A_29 = vector.shape_cast %reduce_sum3A_28 : vector<1xf32> to vector<1x1x1xf32>
    %reduce_sum3A_30 = vector.extract %reduce_sum3A_29[0, 0, 0] : f32 from vector<1x1x1xf32>
    %add3A_31 = arith.addf %get3A_17, %reduce_sum3A_30 : f32
    %swap3A_32 = arith.constant 1 : index
    %swap3A_33 = memref.load %arg6[%swap3A_32] : memref<2xf32, #tpu.memory_space<smem>>
    memref.store %add3A_31, %arg6[%swap3A_32] : memref<2xf32, #tpu.memory_space<smem>>
    %eq3A_34 = arith.constant 7 : i32
    %eq3A_35 = arith.cmpi eq, %arg0, %eq3A_34 : i32
    %convert_element_type3A_36 = arith.extui %eq3A_35 : i1 to i32
    %cond3A_37 = arith.constant 0 : i32
    %cond3A_38 = arith.cmpi ne, %convert_element_type3A_36, %cond3A_37 : i32
    scf.if %cond3A_38 {
      %get3A_39 = arith.constant 0 : index
      %get3A_40 = memref.load %arg6[%get3A_39] : memref<2xf32, #tpu.memory_space<smem>>
      %swap3A_41 = arith.constant 0 : index
      %swap3A_42 = memref.load %arg5[%swap3A_41] : memref<2xf32, #tpu.memory_space<smem>>
      memref.store %get3A_40, %arg5[%swap3A_41] : memref<2xf32, #tpu.memory_space<smem>>
      %get3A_43 = arith.constant 1 : index
      %get3A_44 = memref.load %arg6[%get3A_43] : memref<2xf32, #tpu.memory_space<smem>>
      %swap3A_45 = arith.constant 1 : index
      %swap3A_46 = memref.load %arg5[%swap3A_45] : memref<2xf32, #tpu.memory_space<smem>>
      memref.store %get3A_44, %arg5[%swap3A_45] : memref<2xf32, #tpu.memory_space<smem>>
    } else {
    }
    return
  }
  func.func @transform_0(%arg0: i32) -> (i32, i32, i32) {
    %c0_i32 = arith.constant 0 : i32
    %c0_i32_0 = arith.constant 0 : i32
    %c0_i32_1 = arith.constant 0 : i32
    return %c0_i32, %arg0, %c0_i32_0 : i32, i32, i32
  }
  func.func @transform_1(%arg0: i32) -> (i32, i32, i32) {
    %c0_i32 = arith.constant 0 : i32
    %c0_i32_0 = arith.constant 0 : i32
    %c0_i32_1 = arith.constant 0 : i32
    return %c0_i32, %arg0, %c0_i32_0 : i32, i32, i32
  }
  func.func @transform_2(%arg0: i32) -> (i32, i32) {
    %c0_i32 = arith.constant 0 : i32
    %c0_i32_0 = arith.constant 0 : i32
    return %c0_i32, %arg0 : i32, i32
  }
  func.func @transform_3(%arg0: i32) -> (i32, i32) {
    %c0_i32 = arith.constant 0 : i32
    %c0_i32_0 = arith.constant 0 : i32
    return %c0_i32, %arg0 : i32, i32
  }
  func.func @transform_4(%arg0: i32) -> i32 {
    %c0_i32 = arith.constant 0 : i32
    %c0_i32_0 = arith.constant 0 : i32
    return %c0_i32 : i32
  }
}

</mosaic_0001>

<sc_bundles>
// kernel: kernel.4.cloned.1.call-start
scs
__scs_entry_jumppad:
0x0: {  	(pc) =	sbr.rel $0x88, $3  }
0x1: {  	(tag) =	ssettag $0x0;
	lr =	simm.s32 $0x1  }
0x2: {  	[smem:$0x3F99] =	sst lr;
	_ =	strace $0xD0000000  }
0x3: {  	_ = 	snop  }
0x4: {  	_ = 	snop  }
0x5: {  	_ = 	snop  }
0x6: {  	_ = 	snop  }
0x7: {  	_ = 	snop  }
__scs_overlays_trampoline_lowered:
0x8: {  	[smem:$0x3FA8] =	sst s0  }
0x9: {  	[smem:$0x3FA9] =	sst s1  }
0xa: {  	[smem:$0x3FAA] =	sst s2  }
0xb: {  	[smem:$0x3FAB] =	sst s3  }
0xc: {  	[smem:$0x3FAC] =	sst s4  }
0xd: {  	[smem:$0x3FAD] =	sst s5  }
0xe: {  	[smem:$0x3FAE] =	sst s6  }
0xf: {  	[smem:$0x3FAF] =	sst s7  }
0x10: {  	[smem:$0x3FB0] =	sst s8  }
0x11: {  	[smem:$0x3FB1] =	sst s9;
	s0 =	simm.s32 @!p0 $0x0  }
0x12: {  	s1 =	sld [smem:$0x3F97];
	s0 =	simm.s32 @p0 $0x1  }
0x13: {  	[smem:$0x3FB2] =	sst s0;
	s0 =	simm.s32 @!p1 $0x0  }
0x14: {  	s2 =	sld [smem:$0x3F96];
	s0 =	simm.s32 @p1 $0x1  }
0x15: {  	[smem:$0x3FB3] =	sst s0;
	s0 =	simm.s32 @!p2 $0x0  }
0x16: {  	s3 =	sld [smem:$0x3FDB];
	s0 =	simm.s32 @p2 $0x1  }
0x17: {  	s4 =	simm.s32 $0x1BF5;
	[smem:$0x3FB5] =	sst s0  }
0x18: {  	s0 =	sld [smem:$0x3F98];
	_ =	swait.ge [sflag:s4], $0x0  }
0x19: {  	s7 =	sld [smem:$0x3F99]  }
0x1a: {  	s8 =	sadd.s32 $0xFFFFE003, lr  }
0x1b: {  	s9 =	sadd.s32 $0xFFFFFEF7, lr;
	s5 =	simm.s32 $0xFFFFFFFF;
	p2 =	slt.u32 s8, $0xFFFFF086  }
0x1c: {  	p1 =	slt.u32 s9, $0xF7A;
	s5 =	simm.s32 @!p2 $0x0  }
0x1d: {  	s5 =	simm.s32 @p1 $0x1;
	p0 =	seq.s32 s7, s2  }
0x1e: {  	s7 =	smul.u32 @!p0 $0xF7A, s2;
	p2 =	seq.s32 @!p0 s5, $0x0  }
0x1f: {  	s9 =	smul.u32 $0xF7A, s1;
	s8 =	simm.s32 @!p0 $0x1BF5;
	p2 =	por !p2, p0  }
0x20: {  	[sflag:s8] =	ssyncset.s32 @!p0 $0xFFFFF086;
	s6 =	sadd.s32 @!p0 s3, s7;
	s7 =	simm.s32 @!p0 $0x108  }
0x21: {  	s3 =	sadd.s32 s3, s9;
	s6 =	sadd.s32 @!p0 $0x88, s6;
	s7 =	simm.s32 @p2 $0x1082  }
0x22: {  	[simem:s7], [sflag:s8] =	dma.local @!p0 [hbm:s6], $0xF7A  }
0x23: {  	s9 =	sor.u32 $0xD0000000, s2;
	s6 =	simm.s32 $0x108;
	_ =	swait.ge @!p0 [sflag:s8], $0x0  }
0x24: {  	s3 =	sadd.s32 $0x88, s3;
	s6 =	simm.s32 @!p1 $0x1082;
	[sflag:s4] =	ssyncset.s32 $0xFFFFF086  }
0x25: {  	[simem:s6], [sflag:s4] =	dma.local [hbm:s3], $0xF7A  }
0x26: {  	[smem:$0x3F99] =	sst s1;
	(tag) =	ssettag s2;
	_ =	strace s9  }
0x27: {  	s1 =	sld [smem:$0x3FA9]  }
0x28: {  	s2 =	sld [smem:$0x3FAA]  }
0x29: {  	s4 =	sld [smem:$0x3FAC]  }
0x2a: {  	p0 =	seq.s32 s5, $0x0;
	s5 =	sld [smem:$0x3FAD]  }
0x2b: {  	s6 =	sld [smem:$0x3FAE]  }
0x2c: {  	s7 =	sld [smem:$0x3FAF]  }
0x2d: {  	s3 =	simm.s32 $0x108;
	s8 =	sld [smem:$0x3FB0]  }
0x2e: {  	s3 =	simm.s32 @!p0 $0x1082;
	s9 =	sld [smem:$0x3FB1]  }
0x2f: {  	lr =	sadd.s32 s0, s3;
	s0 =	sld [smem:$0x3FA8]  }
0x30: {  	s3 =	sld [smem:$0x3FAB]  }
0x31: {  	[smem:$0x3FB4] =	sst s10  }
0x32: {  	s10 =	sld [smem:$0x3FB2];
	_ =	sdelay $0x3  }
0x33: {  	p0 =	seq.s32 s10, $0x1;
	s10 =	sld [smem:$0x3FB4];
	_ =	sdelay $0x3  }
0x34: {  	[smem:$0x3FB4] =	sst s10  }
0x35: {  	s10 =	sld [smem:$0x3FB3];
	_ =	sdelay $0x3  }
0x36: {  	p1 =	seq.s32 s10, $0x1;
	s10 =	sld [smem:$0x3FB4];
	_ =	sdelay $0x3  }
0x37: {  	[smem:$0x3FB4] =	sst s10  }
0x38: {  	s10 =	sld [smem:$0x3FB5]  }
0x39: {  	_ = 	snop;
	(pc) =	sbr.ind lr, $3  }
0x3a: {  	_ = 	snop  }
0x3b: {  	_ = 	snop  }
0x3c: {  	p2 =	seq.s32 s10, $0x1;
	s10 =	sld [smem:$0x3FB4]  }
0x3d: {  	_ =	shalt  }
0x3e: {  	_ =	shalt  }
0x3f: {  	_ =	shalt  }
0x40: {  	_ =	shalt  }
0x41: {  	_ =	shalt  }
0x42: {  	_ =	shalt  }
0x43: {  	_ =	shalt  }
0x44: {  	_ =	shalt  }
0x45: {  	_ =	shalt  }
0x46: {  	_ =	shalt  }
0x47: {  	_ =	shalt  }
0x48: {  	_ =	shalt  }
0x49: {  	_ =	shalt  }
0x4a: {  	_ =	shalt  }
0x4b: {  	_ =	shalt  }
0x4c: {  	_ =	shalt  }
0x4d: {  	_ =	shalt  }
0x4e: {  	_ =	shalt  }
0x4f: {  	_ =	shalt  }
0x50: {  	_ =	shalt  }
0x51: {  	_ =	shalt  }
0x52: {  	_ =	shalt  }
0x53: {  	_ =	shalt  }
0x54: {  	_ =	shalt  }
0x55: {  	_ =	shalt  }
0x56: {  	_ =	shalt  }
0x57: {  	_ =	shalt  }
0x58: {  	_ =	shalt  }
0x59: {  	_ =	shalt  }
0x5a: {  	_ =	shalt  }
0x5b: {  	_ =	shalt  }
0x5c: {  	_ =	shalt  }
0x5d: {  	_ =	shalt  }
0x5e: {  	_ =	shalt  }
0x5f: {  	_ =	shalt  }
0x60: {  	_ =	shalt  }
0x61: {  	_ =	shalt  }
0x62: {  	_ =	shalt  }
0x63: {  	_ =	shalt  }
0x64: {  	_ =	shalt  }
0x65: {  	_ =	shalt  }
0x66: {  	_ =	shalt  }
0x67: {  	_ =	shalt  }
0x68: {  	_ =	shalt  }
0x69: {  	_ =	shalt  }
0x6a: {  	_ =	shalt  }
0x6b: {  	_ =	shalt  }
0x6c: {  	_ =	shalt  }
0x6d: {  	_ =	shalt  }
0x6e: {  	_ =	shalt  }
0x6f: {  	_ =	shalt  }
0x70: {  	_ =	shalt  }
0x71: {  	_ =	shalt  }
0x72: {  	_ =	shalt  }
0x73: {  	_ =	shalt  }
0x74: {  	_ =	shalt  }
0x75: {  	_ =	shalt  }
0x76: {  	_ =	shalt  }
0x77: {  	_ =	shalt  }
0x78: {  	_ =	shalt  }
0x79: {  	_ =	shalt  }
0x7a: {  	_ =	shalt  }
0x7b: {  	_ =	shalt  }
0x7c: {  	_ =	shalt  }
0x7d: {  	_ =	shalt  }
0x7e: {  	_ =	shalt  }
0x7f: {  	_ =	shalt  }
0x80: {  	_ =	shalt  }
0x81: {  	_ =	shalt  }
0x82: {  	_ =	shalt  }
0x83: {  	_ =	shalt  }
0x84: {  	_ =	shalt  }
0x85: {  	_ =	shalt  }
0x86: {  	_ =	shalt  }
0x87: {  	_ =	shalt  }
.Lfunc_end0:
.L_simem_size_0:
called_computation_lowered:
.L_overlay_start_0:
0x88: {  	s2 =	sld [smem:$0x3FD9]  }
0x89: {  	s3 =	sld [smem:$0x3FFE];
	_ =	sdelay $0x1  }
0x8a: {  	s1 =	srdreg.scid  }
0x8b: {  	s0 =	sand.u32 $0x1, s1  }
0x8c: {  	s17 =	sshll.u32 s0, $0xA;
	s2 =	sadd.s32 s3, s2  }
0x8d: {  	s2 =	sadd.s32 s2, s17  }
0x8e: {  	[smem:$0x3FC0] =	sst s2  }
0x8f: {  	_ = 	snop  }
0x90: {  	s2 =	sld [smem:$0x3FC4]  }
0x91: {  	s18 =	sld [smem:$0x3FC3];
	(tm) =	ssettm $0x1  }
0x92: {  	s4 =	sld [smem:$0x3FFB];
	_ =	sdelay $0x3  }
0x93: {  	_ =	strace s4  }
0x94: {  	s4 =	sld [smem:$0x3FFC];
	_ =	sdelay $0x3  }
0x95: {  	_ =	strace s4  }
0x96: {  	s4 =	sld [smem:$0x3FFD];
	_ =	sdelay $0x3  }
0x97: {  	_ =	strace s4  }
0x98: {  	_ =	strace $0x8FFFFFFF  }
0x99: {  	s19 =	sld [smem:$0x3FDB];
	_ =	sdelay $0x1  }
0x9a: {  	s5 =	simm.s32 $_scs_section_size  }
0x9b: {  	s6 =	simm.s32 $_size__tile_overlayer_lowered;
	s7 =	simm.s32 $_tile_overlayer_lowered  }
0x9c: {  	s22 =	simm.s32 $0x1BFF;
	s21 =	sshll.u32 s7, $0x1;
	s4 =	sadd.s32 s5, s19  }
0x9d: {  	s8 =	simm.s32 $0x0;
	s20 =	sshll.u32 s6, $0x1;
	s6 =	sadd.s32 s21, s4  }
0x9e: {  	[timem:s8], [sflag:s22] =	dma.local [hbm:s6], s20  }
0x9f: {  	_ =	swait.ge [sflag:s22], s20  }
0xa0: {  	s5 =	ssub.s32 $0x0, s20;
	[sflag:s22] =	ssyncset.done $0x0  }
0xa1: {  	[sflag:s22] =	ssyncadd.s32 s5;
	_ =	sdelay $0x1  }
0xa2: {  	s23 =	simm.s32 $0x1B8B  }
0xa3: {  	_ =	swait.ge [sflag:s23], $0x1  }
0xa4: {  	[sflag:s23] =	ssyncset.done $0x0  }
0xa5: {  	s25 =	simm.s32 $0x1B8E;
	s24 =	sld [smem:$0x3FFE];
	[sflag:s23] =	ssyncadd.s32 $0xFFFFFFFF  }
0xa6: {  	s26 =	simm.s32 $execute0_lowered;
	[smem:$0x3FD2] =	sst s25  }
0xa7: {  	s6 =	sshll.u32 s26, $0x1;
	_ =	strace $0x80000046;
	[dreg:$0x1] =	wrdreg $0xFFFFFFFF  }
0xa8: {  	s28 =	simm.s32 $_size_execute0_lowered;
	s4 =	sadd.s32 s4, s6;
	[dreg:$0x0] =	wrdreg $0x0  }
0xa9: {  	s6 =	sshll.u32 s28, $0x1;
	[dreg:$0x2] =	wrdreg s4  }
0xaa: {  	[dreg:$0x3] =	wrdreg s6  }
0xab: {  	[dreg:$0x4] =	wrdreg $0xC0  }
0xac: {  	_ =	task [dreg:s8], $0x5FFFF  }
0xad: {  	[dreg:$0x1] =	wrdreg $0xFFFFFFFF  }
0xae: {  	[dreg:$0x0] =	wrdreg $0x60  }
0xaf: {  	[dreg:$0x2] =	wrdreg s24  }
0xb0: {  	[dreg:$0x3] =	wrdreg s2  }
0xb1: {  	[dreg:$0x4] =	wrdreg s18  }
0xb2: {  	[dreg:$0x5] =	wrdreg $0x9  }
0xb3: {  	_ =	task.clear_ibuf [dreg:s8], $0x6FFFF;
	_ =	strace $0x90000046  }
0xb4: {  	s29 =	simm.s32 $0x9;
	_ =	strace $0x80000048  }
0xb5: {  	_ =	swait.ge [sflag:s29], $0x1  }
0xb6: {  	[sflag:s29] =	ssyncadd.s32 $0xFFFFFFFF  }
0xb7: {  	_ =	strace $0x90000048  }
0xb8: {  	_ =	sfence  }
0xb9: {  	s30 =	sld [smem:$0x0];
	_ =	sdelay $0x2  }
0xba: {  	s31 =	sshll.u32 s1, $0xD;
	s1 =	sshrl.u32 s1, $0x2  }
0xbb: {  	s3 =	sand.u32 $0x4000, s31;
	s1 =	sadd.s32 s1, s30  }
0xbc: {  	s0 =	sor.u32 s3, s0;
	s1 =	sshll.u32 s1, $0x11  }
0xbd: {  	s0 =	sor.u32 s1, s0  }
0xbe: {  	s0 =	sadd.s32 $0x8F2B, s0  }
0xbf: {  	[sflag:s0] =	ssyncadd.remote.s32 $0x1  }
0xc0: {  	_ =	sfence.sel $0xFFFF  }
0xc1: {  	[dreg:$0x0] =	wrdreg $0xFFFFFFFF;
	(pc) =	sbr.abs _section_cstart, $3  }
0xc2: {  	[dreg:$0x1] =	wrdreg $0xFFFFFFFF  }
0xc3: {  	_ =	task.clear_ibuf [dreg:s8], $0x2FFFF;
	_ =	strace $0x9FFFFFFF  }
0xc4: {  	(tm) =	ssettm $0x7FFFFFFF  }
0xc5: {  	_ =	shalt  }
tec
execute0_lowered:
.L_overlay_start_1:
0x0: {  	(tag) =	ssettag $0x1  }
0x1: {  	s1 =	rddreg [dreg:$0x0]  }
0x2: {  	s5 =	rddreg [dreg:$0x1];
	s2 =	srdreg.scid  }
0x3: {  	s0 =	stileid.u32;
	s6 =	rddreg [dreg:$0x2]  }
0x4: {  	s7 =	sand.u32 $0x1, s2;
	s3 =	sshll.u32 s0, $0x1;
	s2 =	rddreg [dreg:$0x3]  }
0x5: {  	s4 =	sshll.u32 s0, $0x9;
	s8 =	sor.u32 s7, s3;
	s3 =	simm.s32 $0x0  }
0x6: {  	s4 =	sand.u32 $0x1800, s4;
	s7 =	ssub.s32 $0x2, s7;
	s9 =	sshll.u32 s8, $0x7  }
0x7: {  	[smem:$0x7FF] =	sst s3;
	s11 =	sshrl.u32 s7, $0x1;
	s8 =	sshll.u32 s8, $0x4  }
0x8: {  	s10 =	sand.u32 $0x380, s9;
	_ =	strace $0x80000047;
	s11 =	ssub.s32 s7, s11  }
0x9: {  	s5 =	sadd.s32 s5, s8;
	s6 =	sadd.s32 s6, s8;
	s12 =	sor.u32 $0x10, s9  }
0xa: {  	s13 =	sor.u32 $0x20, s9;
	s14 =	sor.u32 $0x30, s9;
	s15 =	sor.u32 $0x40, s9  }
0xb: {  	v7 =	vlaneseq.u32;
	s16 =	sor.u32 $0x50, s9;
	s17 =	sor.u32 $0x60, s9;
	s18 =	sor.u32 $0x70, s9  }
0xc: {  	v0 =	vor.u32 s9, v7;
	s9 =	simm.s32 $0x2;
	s10 =	sor.u32 s4, s10;
	s4 =	sadd.s32 $0x1800, s1  }
0xd: {  	s8 =	smax.u32 s11, $0x1;
	v1 =	vor.u32 s12, v7;
	s11 =	simm.s32 $0x100;
	s12 =	simm.s32 $0x200  }
0xe: {  	v2 =	vor.u32 s13, v7;
	v3 =	vor.u32 s14, v7;
	s13 =	simm.s32 $0x180;
	s14 =	simm.s32 $0x280;
	s10 =	sshrl.u32 s10, $0x3  }
0xf: {  	v4 =	vor.u32 s15, v7;
	v5 =	vor.u32 s16, v7;
	s15 =	simm.s32 $0x1;
	s16 =	simm.s32 $0x400;
	s10 =	sadd.s32 s10, s1  }
0x10: {  	v8 =	vimm.f32 $0.0e+00;
	v6 =	vor.u32 s17, v7;
	v7 =	vor.u32 s18, v7;
	s17 =	simm.s32 $0x300;
	s7 =	sadd.s32 $0x2000, s10;
	s10 =	simm.s32 $0x80  }
.LBB2_1:
0x11: {  	[tilespmem:s3], [sflag:$0x2] =	stream.linear.gather [hbm4b:s5+s3], $0x80, $0x38;
	[tilespmem:$0x400] =	vst v63  }
0x12: {  	_ =	swait.ge [sflag:s9], $0x80  }
0x13: {  	[sflag:s9] =	ssyncset.done $0x0  }
0x14: {  	[sflag:s9] =	ssyncadd.s32 $0xFFFFFF80  }
0x15: {  	[tilespmem:s10], [sflag:$0x2] =	stream.linear.gather [hbm4b:s6+s3], $0x80, $0x38;
	[tilespmem:$0x400] =	vst v63  }
0x16: {  	_ =	swait.ge [sflag:s9], $0x80  }
0x17: {  	[sflag:s9] =	ssyncset.done $0x0  }
0x18: {  	[sflag:s9] =	ssyncadd.s32 $0xFFFFFF80  }
0x19: {  	v9 =	vld [tilespmem:$0x0]  }
0x1a: {  	v10 =	vld [tilespmem:$0x80]  }
0x1b: {  	v11 =	vld [tilespmem:$0x10]  }
0x1c: {  	v12 =	vld [tilespmem:$0x90]  }
0x1d: {  	v13 =	vld [tilespmem:$0x20]  }
0x1e: {  	v14 =	vld [tilespmem:$0xA0];
	v9 =	vshll.u32 v9, $0xC  }
0x1f: {  	v15 =	vld [tilespmem:$0x30];
	v10 =	vshll.u32 v10, $0xC;
	v9 =	vor.u32 v0, v9  }
0x20: {  	[tilespmem:$0x100] =	vst v9;
	v9 =	vor.u32 v0, v10;
	v10 =	vshll.u32 v11, $0xC;
	v11 =	vld [tilespmem:$0xB0]  }
0x21: {  	v23 =	vld [tilespmem:$0x40];
	[tilespmem:$0x180] =	vst v9;
	v9 =	vadd.s32 v1, v10;
	v10 =	vshll.u32 v12, $0xC  }
0x22: {  	v24 =	vld [tilespmem:$0xC0];
	[tilespmem:$0x110] =	vst v9;
	v9 =	vadd.s32 v1, v10;
	v10 =	vshll.u32 v13, $0xC  }
0x23: {  	v25 =	vld [tilespmem:$0x50];
	[tilespmem:$0x190] =	vst v9;
	v9 =	vadd.s32 v2, v10;
	v10 =	vshll.u32 v14, $0xC  }
0x24: {  	v26 =	vld [tilespmem:$0xD0];
	[tilespmem:$0x120] =	vst v9;
	v9 =	vadd.s32 v2, v10;
	v10 =	vshll.u32 v15, $0xC  }
0x25: {  	[tilespmem:$0x1A0] =	vst v9;
	v9 =	vadd.s32 v3, v10;
	v10 =	vshll.u32 v11, $0xC;
	v11 =	vld [tilespmem:$0x60]  }
0x26: {  	v27 =	vld [tilespmem:$0xE0];
	[tilespmem:$0x130] =	vst v9;
	v9 =	vadd.s32 v3, v10;
	v10 =	vshll.u32 v23, $0xC  }
0x27: {  	v28 =	vld [tilespmem:$0x70];
	[tilespmem:$0x1B0] =	vst v9;
	v9 =	vadd.s32 v4, v10;
	v10 =	vshll.u32 v24, $0xC  }
0x28: {  	v29 =	vld [tilespmem:$0xF0];
	[tilespmem:$0x140] =	vst v9;
	v9 =	vadd.s32 v4, v10;
	v10 =	vshll.u32 v25, $0xC  }
0x29: {  	[tilespmem:$0x1C0] =	vst v9;
	v9 =	vadd.s32 v5, v10;
	v10 =	vshll.u32 v26, $0xC  }
0x2a: {  	[tilespmem:$0x150] =	vst v9;
	v9 =	vadd.s32 v5, v10;
	v10 =	vshll.u32 v11, $0xC  }
0x2b: {  	[tilespmem:$0x1D0] =	vst v9;
	v9 =	vadd.s32 v6, v10;
	v10 =	vshll.u32 v27, $0xC  }
0x2c: {  	[tilespmem:$0x160] =	vst v9;
	v9 =	vadd.s32 v6, v10;
	v10 =	vshll.u32 v28, $0xC  }
0x2d: {  	[tilespmem:$0x1E0] =	vst v9;
	v9 =	vadd.s32 v7, v10;
	v10 =	vshll.u32 v29, $0xC  }
0x2e: {  	[tilespmem:$0x170] =	vst v9;
	v9 =	vadd.s32 v7, v10  }
0x2f: {  	[tilespmem:$0x1F0] =	vst v9  }
0x30: {  	[tilespmem:s12], [sflag:$0x1] =	stream.indirect.gather [hbm4b:s1+s10], $0x1, s11, s10, $0xb8;
	[tilespmem:$0x400] =	vst v63  }
0x31: {  	_ = 	snop  }
0x32: {  	[tilespmem:s14], [sflag:$0x1] =	stream.indirect.gather [hbm4b:s4+s10], $0x1, s13, s10, $0xb8;
	[tilespmem:$0x400] =	vst v63  }
0x33: {  	_ =	swait.ge [sflag:s15], $0x80  }
0x34: {  	[sflag:s15] =	ssyncset.done $0x0  }
0x35: {  	[sflag:s15] =	ssyncadd.s32 $0xFFFFFF80  }
0x36: {  	_ =	swait.ge [sflag:s15], $0x80  }
0x37: {  	[sflag:s15] =	ssyncset.done $0x0  }
0x38: {  	[sflag:s15] =	ssyncadd.s32 $0xFFFFFF80  }
0x39: {  	v9 =	vld [tilespmem:$0x200]  }
0x3a: {  	v10 =	vld [tilespmem:$0x280]  }
0x3b: {  	v11 =	vld [tilespmem:$0x80]  }
0x3c: {  	v30 =	vld [tilespmem:$0x210]  }
0x3d: {  	v31 =	vld [tilespmem:$0x90]  }
0x3e: {  	v32 =	vld [tilespmem:$0x290]  }
0x3f: {  	v38 =	vld [tilespmem:$0x220]  }
0x40: {  	v26 =	vld [tilespmem:$0x2A0]  }
0x41: {  	v41 =	vld [tilespmem:$0xA0]  }
0x42: {  	v54 =	vld [tilespmem:$0x230];
	v9 =	vsub.f32 $1.000000000e+00, v9  }
0x43: {  	v56 =	vld [tilespmem:$0xB0];
	v10 =	vsub.f32 $1.000000000e+00, v10;
	vm0 =	veq.s32 v11, $0x0;
	vm1 =	veq.s32 v11, $0x1  }
0x44: {  	v58 =	vld [tilespmem:$0x2B0];
	vm13 =	veq.s32 v11, $0x2;
	v12 =	vsub.f32 $1.000000000e+00, v30;
	v14 =	vsub.f32 $1.000000000e+00, v32  }
0x45: {  	vm14 =	veq.s32 v31, $0x0;
	vm15 =	veq.s32 v11, $0x3;
	vm4 =	veq.s32 v31, $0x1  }
0x46: {  	vm2 =	veq.s32 v31, $0x2;
	vm5 =	veq.s32 v31, $0x3;
	v46 =	vsub.f32 $1.000000000e+00, v38  }
0x47: {  	v48 =	vsub.f32 $1.000000000e+00, v26;
	vm6 =	veq.s32 v41, $0x0;
	vm7 =	veq.s32 v41, $0x1  }
0x48: {  	vm8 =	veq.s32 v41, $0x2;
	vm9 =	veq.s32 v41, $0x3;
	v61 =	vsub.f32 $1.000000000e+00, v54  }
0x49: {  	v63 =	vsub.f32 $1.000000000e+00, v58;
	vm10 =	veq.s32 v56, $0x0;
	vm11 =	veq.s32 v56, $0x1  }
0x4a: {  	vm12 =	veq.s32 v56, $0x2;
	v17 =	vsel vm0, $0x3F800000, v8;
	v20 =	vsel vm1, $0x3F800000, v8  }
0x4b: {  	v23 =	vsel vm13, $0x3F800000, v8;
	v24 =	vsel vm14, $0x3F800000, v8;
	v39 =	vsel vm4, $0x3F800000, v8  }
0x4c: {  	v27 =	vsel vm2, $0x3F800000, v8;
	v47 =	vsel vm15, $0x3F800000, v8;
	v49 =	vsel vm5, $0x3F800000, v8  }
0x4d: {  	v52 =	vsel vm6, $0x3F800000, v8;
	v57 =	vsel vm7, $0x3F800000, v8;
	v60 =	vsel vm8, $0x3F800000, v8  }
0x4e: {  	v30 =	vsel vm10, $0x3F800000, v8;
	v9 =	vand.u32 $0x7FFFFFFF, v9;
	v10 =	vand.u32 $0x7FFFFFFF, v10  }
0x4f: {  	v12 =	vand.u32 $0x7FFFFFFF, v12;
	v14 =	vand.u32 $0x7FFFFFFF, v14;
	v35 =	vadd.f32 v24, v17  }
0x50: {  	v44 =	vadd.f32 v27, v23;
	v23 =	vadd.f32 v49, v47;
	v62 =	vand.u32 $0x7FFFFFFF, v61  }
0x51: {  	v33 =	vnsel vm0, $0x0, v9;
	v16 =	vnsel vm0, $0x0, v10;
	v18 =	vnsel vm1, $0x0, v9  }
0x52: {  	v19 =	vnsel vm1, $0x0, v10;
	v21 =	vnsel vm13, $0x0, v9;
	v22 =	vnsel vm13, $0x0, v10  }
0x53: {  	v11 =	vnsel vm14, $0x0, v12;
	v9 =	vnsel vm15, $0x0, v9;
	v34 =	vnsel vm14, $0x0, v14  }
0x54: {  	v36 =	vnsel vm4, $0x0, v12;
	v37 =	vnsel vm4, $0x0, v14;
	v25 =	vnsel vm2, $0x0, v12  }
0x55: {  	v10 =	vnsel vm15, $0x0, v10;
	v42 =	vnsel vm2, $0x0, v14;
	v12 =	vnsel vm5, $0x0, v12  }
0x56: {  	v45 =	vnsel vm5, $0x0, v14;
	v14 =	vand.u32 $0x7FFFFFFF, v46;
	v11 =	vadd.f32 v11, v33  }
0x57: {  	v24 =	vnsel vm10, $0x0, v62;
	v15 =	vadd.f32 v34, v16;
	v17 =	vadd.f32 v36, v18  }
0x58: {  	v31 =	vnsel vm11, $0x0, v62;
	v18 =	vadd.f32 v37, v19;
	v19 =	vadd.f32 v39, v20  }
0x59: {  	vm13 =	veq.s32 v56, $0x3;
	v40 =	vadd.f32 v25, v21;
	v43 =	vadd.f32 v42, v22  }
0x5a: {  	v9 =	vadd.f32 v12, v9;
	v10 =	vadd.f32 v45, v10;
	v12 =	vand.u32 $0x7FFFFFFF, v48  }
0x5b: {  	v50 =	vnsel vm6, $0x0, v14;
	v53 =	vnsel vm7, $0x0, v14;
	v16 =	vadd.f32 v52, v35  }
0x5c: {  	v59 =	vnsel vm8, $0x0, v14;
	v14 =	vnsel vm9, $0x0, v14;
	v21 =	vadd.f32 v60, v44  }
0x5d: {  	v22 =	vand.u32 $0x7FFFFFFF, v63;
	v34 =	vsel vm11, $0x3F800000, v8;
	v35 =	vnsel vm12, $0x0, v62  }
0x5e: {  	v39 =	vsel vm12, $0x3F800000, v8;
	v51 =	vnsel vm6, $0x0, v12;
	v11 =	vadd.f32 v50, v11  }
0x5f: {  	v55 =	vnsel vm7, $0x0, v12;
	v15 =	vadd.f32 v51, v15;
	v17 =	vadd.f32 v53, v17  }
0x60: {  	v28 =	vnsel vm8, $0x0, v12;
	v18 =	vadd.f32 v55, v18;
	v19 =	vadd.f32 v57, v19  }
0x61: {  	v12 =	vnsel vm9, $0x0, v12;
	v20 =	vadd.f32 v59, v40;
	v13 =	vadd.f32 v28, v43  }
0x62: {  	v33 =	vld [tilespmem:$0x240];
	v29 =	vnsel vm10, $0x0, v22;
	v9 =	vadd.f32 v14, v9;
	v10 =	vadd.f32 v12, v10  }
0x63: {  	v36 =	vld [tilespmem:$0x2C0];
	v28 =	vsel vm9, $0x3F800000, v8;
	v16 =	vadd.f32 v30, v16;
	v21 =	vadd.f32 v39, v21  }
0x64: {  	v37 =	vld [tilespmem:$0xC0];
	v32 =	vnsel vm11, $0x0, v22;
	v12 =	vadd.f32 v28, v23;
	v11 =	vadd.f32 v24, v11  }
0x65: {  	v48 =	vld [tilespmem:$0x250];
	v38 =	vnsel vm12, $0x0, v22;
	v15 =	vadd.f32 v29, v15;
	v17 =	vadd.f32 v31, v17  }
0x66: {  	v52 =	vld [tilespmem:$0x2D0];
	v14 =	vnsel vm13, $0x0, v62;
	v18 =	vadd.f32 v32, v18;
	v19 =	vadd.f32 v34, v19  }
0x67: {  	v40 =	vnsel vm13, $0x0, v22;
	v20 =	vadd.f32 v35, v20;
	v13 =	vadd.f32 v38, v13  }
0x68: {  	v43 =	vsel vm13, $0x3F800000, v8;
	v9 =	vadd.f32 v14, v9;
	v10 =	vadd.f32 v40, v10  }
0x69: {  	v41 =	vsub.f32 $1.000000000e+00, v33;
	v42 =	vsub.f32 $1.000000000e+00, v36;
	vm14 =	veq.s32 v37, $0x0  }
0x6a: {  	v50 =	vld [tilespmem:$0xD0];
	v12 =	vadd.f32 v43, v12;
	vm15 =	veq.s32 v37, $0x1;
	vm4 =	veq.s32 v37, $0x2  }
0x6b: {  	vm5 =	veq.s32 v37, $0x3;
	v56 =	vsub.f32 $1.000000000e+00, v48;
	v58 =	vsub.f32 $1.000000000e+00, v52  }
0x6c: {  	v46 =	vsel vm14, $0x3F800000, v8;
	v51 =	vsel vm15, $0x3F800000, v8;
	v55 =	vsel vm4, $0x3F800000, v8  }
0x6d: {  	v59 =	vsel vm5, $0x3F800000, v8;
	v22 =	vand.u32 $0x7FFFFFFF, v41;
	v16 =	vadd.f32 v46, v16  }
0x6e: {  	v14 =	vand.u32 $0x7FFFFFFF, v42;
	v19 =	vadd.f32 v51, v19;
	v21 =	vadd.f32 v55, v21  }
0x6f: {  	v57 =	vand.u32 $0x7FFFFFFF, v56;
	vm6 =	veq.s32 v50, $0x0;
	v12 =	vadd.f32 v59, v12  }
0x70: {  	v60 =	vand.u32 $0x7FFFFFFF, v58;
	vm7 =	veq.s32 v50, $0x1;
	vm8 =	veq.s32 v50, $0x2  }
0x71: {  	vm9 =	veq.s32 v50, $0x3;
	v44 =	vnsel vm14, $0x0, v22;
	v45 =	vnsel vm14, $0x0, v14  }
0x72: {  	v47 =	vnsel vm15, $0x0, v22;
	v49 =	vnsel vm15, $0x0, v14;
	v53 =	vnsel vm4, $0x0, v22  }
0x73: {  	v54 =	vnsel vm4, $0x0, v14;
	v22 =	vnsel vm5, $0x0, v22;
	v14 =	vnsel vm5, $0x0, v14  }
0x74: {  	v24 =	vnsel vm6, $0x0, v57;
	v23 =	vnsel vm6, $0x0, v60;
	v61 =	vsel vm6, $0x3F800000, v8  }
0x75: {  	v33 =	vld [tilespmem:$0x2E0];
	v62 =	vnsel vm7, $0x0, v57;
	v32 =	vnsel vm7, $0x0, v60;
	v11 =	vadd.f32 v44, v11  }
0x76: {  	v43 =	vld [tilespmem:$0x270];
	v34 =	vsel vm7, $0x3F800000, v8;
	v15 =	vadd.f32 v45, v15;
	v17 =	vadd.f32 v47, v17  }
0x77: {  	v52 =	vld [tilespmem:$0x2F0];
	v35 =	vnsel vm8, $0x0, v57;
	v18 =	vadd.f32 v49, v18;
	v20 =	vadd.f32 v53, v20  }
0x78: {  	v36 =	vld [tilespmem:$0xE0];
	v37 =	vnsel vm8, $0x0, v60;
	v13 =	vadd.f32 v54, v13;
	v9 =	vadd.f32 v22, v9  }
0x79: {  	v38 =	vsel vm8, $0x3F800000, v8;
	v10 =	vadd.f32 v14, v10;
	v16 =	vadd.f32 v61, v16  }
0x7a: {  	v40 =	vsel vm9, $0x3F800000, v8;
	v19 =	vadd.f32 v34, v19;
	v21 =	vadd.f32 v38, v21  }
0x7b: {  	v63 =	vld [tilespmem:$0x260];
	v22 =	vnsel vm9, $0x0, v57;
	v12 =	vadd.f32 v40, v12;
	v39 =	vsub.f32 $1.000000000e+00, v33  }
0x7c: {  	v14 =	vnsel vm9, $0x0, v60;
	v25 =	vsub.f32 $1.000000000e+00, v43;
	v28 =	vsub.f32 $1.000000000e+00, v52  }
0x7d: {  	vm10 =	veq.s32 v36, $0x0;
	v11 =	vadd.f32 v24, v11;
	v15 =	vadd.f32 v23, v15  }
0x7e: {  	vm11 =	veq.s32 v36, $0x1;
	v17 =	vadd.f32 v62, v17;
	v18 =	vadd.f32 v32, v18  }
0x7f: {  	vm12 =	veq.s32 v36, $0x2;
	v20 =	vadd.f32 v35, v20;
	v13 =	vadd.f32 v37, v13  }
0x80: {  	vm3 =	veq.s32 v36, $0x3;
	v24 =	vsub.f32 $1.000000000e+00, v63;
	v9 =	vadd.f32 v22, v9  }
0x81: {  	v47 =	vld [tilespmem:$0xF0];
	v10 =	vadd.f32 v14, v10;
	v48 =	vsel vm10, $0x3F800000, v8;
	v29 =	vsel vm11, $0x3F800000, v8  }
0x82: {  	v53 =	vsel vm12, $0x3F800000, v8;
	v56 =	vsel vm3, $0x3F800000, v8;
	v42 =	vand.u32 $0x7FFFFFFF, v39  }
0x83: {  	v25 =	vand.u32 $0x7FFFFFFF, v25;
	v41 =	vand.u32 $0x7FFFFFFF, v24;
	v45 =	vnsel vm10, $0x0, v42  }
0x84: {  	v50 =	vnsel vm11, $0x0, v42;
	v30 =	vnsel vm12, $0x0, v42;
	v24 =	vnsel vm3, $0x0, v42  }
0x85: {  	v44 =	vnsel vm10, $0x0, v41;
	v46 =	vadd.f32 v45, v15;
	v49 =	vnsel vm11, $0x0, v41  }
0x86: {  	v51 =	vnsel vm12, $0x0, v41;
	v22 =	vnsel vm3, $0x0, v41;
	vm13 =	veq.s32 v47, $0x0  }
0x87: {  	vm14 =	veq.s32 v47, $0x1;
	vm4 =	veq.s32 v47, $0x2;
	v11 =	vadd.f32 v44, v11  }
0x88: {  	vm15 =	veq.s32 v47, $0x3;
	v17 =	vadd.f32 v49, v17;
	v54 =	vnsel vm13, $0x0, v25  }
0x89: {  	v20 =	vadd.f32 v51, v20;
	v55 =	vnsel vm14, $0x0, v25;
	v11 =	vadd.f32 v54, v11  }
0x8a: {  	v9 =	vadd.f32 v22, v9;
	v57 =	vnsel vm4, $0x0, v25;
	v17 =	vadd.f32 v55, v17  }
0x8b: {  	v58 =	vnsel vm15, $0x0, v25;
	v15 =	vadd.f32 v57, v20;
	[tilespmem:$0x300] =	vst v11;
	v11 =	vand.u32 $0x7FFFFFFF, v28  }
0x8c: {  	v18 =	vadd.f32 v50, v18;
	v9 =	vadd.f32 v58, v9;
	[tilespmem:$0x310] =	vst v17;
	v59 =	vnsel vm13, $0x0, v11  }
0x8d: {  	v13 =	vadd.f32 v30, v13;
	[tilespmem:$0x320] =	vst v15;
	v60 =	vnsel vm14, $0x0, v11;
	v14 =	vadd.f32 v59, v46  }
0x8e: {  	v10 =	vadd.f32 v24, v10;
	[tilespmem:$0x330] =	vst v9;
	v9 =	vnsel vm4, $0x0, v11;
	v15 =	vadd.f32 v60, v18  }
0x8f: {  	v16 =	vadd.f32 v48, v16;
	v11 =	vnsel vm15, $0x0, v11;
	v9 =	vadd.f32 v9, v13;
	[tilespmem:$0x340] =	vst v14  }
0x90: {  	v62 =	vadd.f32 v29, v19;
	v61 =	vsel vm13, $0x3F800000, v8;
	v10 =	vadd.f32 v11, v10;
	[tilespmem:$0x350] =	vst v15  }
0x91: {  	v63 =	vadd.f32 v53, v21;
	v11 =	vsel vm14, $0x3F800000, v8;
	v13 =	vadd.f32 v61, v16;
	[tilespmem:$0x360] =	vst v9  }
0x92: {  	v12 =	vadd.f32 v56, v12;
	v11 =	vadd.f32 v11, v62;
	v9 =	vsel vm4, $0x3F800000, v8;
	[tilespmem:$0x370] =	vst v10  }
0x93: {  	v10 =	vsel vm15, $0x3F800000, v8;
	[tilespmem:$0x380] =	vst v13;
	v9 =	vadd.f32 v9, v63  }
0x94: {  	v10 =	vadd.f32 v10, v12;
	[tilespmem:$0x390] =	vst v11  }
0x95: {  	p0 =	sne.s32 s8, $0x1;
	[tilespmem:$0x3A0] =	vst v9  }
.Ltmp0:
0x96: {  	[tilespmem:$0x3B0] =	vst v10;
	(pc) =	sbr.rel @p0 .LBB2_1-.Ltmp0, $4  }
0x97: {  	[hbm4b:s7+s10] =	stream.strided.scatter [tilespmem:s17], [sflag:$0x2], $0x100, s16, s10, $0x38;
	[tilespmem:$0x400] =	vst v63  }
0x98: {  	_ =	swait.ge [sflag:s9], $0x100  }
0x99: {  	[sflag:s9] =	ssyncset.done $0x0  }
0x9a: {  	s8 =	sadd.s32 $0xFFFFFFFF, s8;
	[sflag:s9] =	ssyncadd.s32 $0xFFFFFF00  }
0x9b: {  	_ =	sfence.sel $0x180000  }
0x9c: {  	[bflag:$0x0] =	sbarrier.arrive $0xFFFF  }
0x9d: {  	p0 =	sne.s32 s0, $0x0;
	_ =	strace $0x90000047  }
0x9e: {  	s0 =	sadd.s32 @!p0 $0x100000, s2;
	[bflag:$0x2] =	sbarrier.arrive $0xFFFF  }
0x9f: {  	[sflag:s0] =	ssyncadd.tile.s32 @!p0 $0x1;
	_ =	shalt  }
.Lfunc_end2:
_tile_overlayer_lowered:
.L_overlay_start_2:
0xa0: {  	(tag) =	ssettag $0x2  }
0xa1: {  	s0 =	rddreg [dreg:$0x0];
	s2 =	stileid.u32  }
0xa2: {  	s1 =	rddreg [dreg:$0x1];
	p0 =	sne.s32 s2, $0x0  }
0xa3: {  	s3 =	rddreg [dreg:$0x2];
	[bflag:$0x3] =	sbarrier.arrive $0xFFFF;
	s2 =	simm.s32 @!p0 $0x1C02  }
0xa4: {  	[timem:s3], [sflag:s2] =	dma.local @!p0 [hbm:s0], s1  }
0xa5: {  	s0 =	simm.s32 @!p0 $0x2  }
0xa6: {  	_ =	swait.ge @!p0 [sflag:s0], s1  }
0xa7: {  	s1 =	ssub.s32 @!p0 $0x0, s1;
	[sflag:s0] =	ssyncset.done @!p0 $0x0  }
0xa8: {  	[sflag:s0] =	ssyncadd.s32 @!p0 s1  }
0xa9: {  	[bflag:$0x3] =	sbarrier.arrive $0xFFFF  }
0xaa: {  	_ =	shalt  }

</sc_bundles>
